<compile_context>
chip_gen: v7x
topology: tpu7x:2x2x1
jax: 0.10.2.dev20260603
libtpu: 0.0.44.dev20260713+nightly
codegen_flags: <defaults>
</compile_context>

<pallas_src>
import functools

import jax
import jax.numpy as jnp
from jax import lax
from jax.experimental import pallas as pl
from jax.experimental.pallas import tpu as pltpu
from jax.experimental.pallas import tpu_sc as plsc

BATCH = 4096
DIM = 1024

_INFO = plsc.get_sparse_core_info()
_NC = _INFO.num_cores
_NS = _INFO.num_subcores
_NW = _NC * _NS
_BPW = BATCH // _NW
_CB = 16
_NCHUNK = _BPW // _CB
_NBUF = 6
_GAHEAD = 5

_MESH = plsc.VectorSubcoreMesh(core_axis_name="c", subcore_axis_name="s")


@functools.partial(
    pl.kernel,
    mesh=_MESH,
    out_type=jax.ShapeDtypeStruct((3, BATCH, DIM), jnp.float32),
    scratch_types=(
        [pltpu.VMEM((3, _BPW), jnp.int32)]
        + [pltpu.VMEM((_CB, DIM), jnp.float32)] * _NBUF
        + [pltpu.SemaphoreType.DMA] * (2 * _NBUF)
    ),
)
def _sc_prefix_gather(ids_hbm, ent_hbm, rel_hbm, out_hbm, idx_v, *rest):
    wid = lax.axis_index("s") * _NC + lax.axis_index("c")
    base = wid * _BPW

    pltpu.sync_copy(ids_hbm.at[:, pl.ds(base, _BPW)], idx_v)

    bufs = rest[:_NBUF]
    gsems = rest[_NBUF:2 * _NBUF]
    osems = rest[2 * _NBUF:]
    nbuf = _NBUF
    units = [(j, c) for j in range(3) for c in range(_NCHUNK)]
    n = len(units)

    def start_gather(i):
        j, c = units[i]
        table = rel_hbm if j == 1 else ent_hbm
        return pltpu.async_copy(
            table.at[idx_v.at[j, pl.ds(c * _CB, _CB)]],
            bufs[i % nbuf], gsems[i % nbuf])

    def start_put(i):
        j, c = units[i]
        return pltpu.async_copy(
            bufs[i % nbuf],
            out_hbm.at[j, pl.ds(base + c * _CB, _CB)],
            osems[i % nbuf])

    gathers = [None] * n
    puts = [None] * n
    put_waited = [False] * n
    for i in range(min(_GAHEAD, n)):
        gathers[i] = start_gather(i)
    for i in range(n):
        k = i + _GAHEAD
        if k < n:
            if k - nbuf >= 0:
                puts[k - nbuf].wait()
                put_waited[k - nbuf] = True
            gathers[k] = start_gather(k)
        gathers[i].wait()
        puts[i] = start_put(i)
    for i in range(n):
        if not put_waited[i]:
            puts[i].wait()


def kernel(triple_ids, ent_embeddings, rel_embeddings):
    ids_t = triple_ids.T
    out = _sc_prefix_gather(ids_t, ent_embeddings, rel_embeddings)
    return jnp.transpose(out, (1, 0, 2))

# --- scband reference (transcript-rebuilt; emitter-appended) ---
"""Pipeline reference for scband-prefix-kgembedding-35450660062012 (READ-ONLY COPY).

The authoritative reference and input builder live on the scoring server;
editing this copy changes nothing except your own understanding.
"""

import jax, jax.numpy as jnp
import numpy as np

NUM_ENT = 100000
NUM_REL = 100000
DIM_LLM = 1024
NUM_PREFIX = 1
EMB_DIM = NUM_PREFIX * DIM_LLM
BATCH = 4096


def setup_inputs(seed: int = 0) -> dict:
    key = jax.random.key(seed)
    k_idx, k_ent, k_rel = jax.random.split(key, 3)
    triple_ids = jax.random.randint(k_idx, (BATCH, 3), 0, NUM_ENT, dtype=jnp.int32)
    ent_embeddings = jax.random.normal(k_ent, (NUM_ENT, EMB_DIM), dtype=jnp.float32) * 0.02
    rel_embeddings = jax.random.normal(k_rel, (NUM_REL, EMB_DIM), dtype=jnp.float32) * 0.02
    return {
        "triple_ids": triple_ids,
        "ent_embeddings": ent_embeddings,
        "rel_embeddings": rel_embeddings,
    }


def reference(triple_ids, ent_embeddings, rel_embeddings):
    head = triple_ids[:, 0]
    relation = triple_ids[:, 1]
    tail = triple_ids[:, 2]
    h = jnp.take(ent_embeddings, head, axis=0)
    r = jnp.take(rel_embeddings, relation, axis=0)
    t = jnp.take(ent_embeddings, tail, axis=0)
    prefix = jnp.stack((h, r, t), axis=1)
    return prefix

if __name__ == "__main__":
    import jax
    _d = setup_inputs()
    print(jax.jit(kernel)(*tuple(_d.values())))

</pallas_src>

<mosaic_0001>
#map = affine_map<(d0, d1) -> (0, 0)>
#map1 = affine_map<(d0, d1) -> (0, 0, 0)>
module attributes {stable_mosaic.version = 14 : i64} {
  func.func @_sc_prefix_gather(%arg0: i32, %arg1: i32, %arg2: memref<3x4096xi32, #tpu.memory_space<hbm>>, %arg3: memref<100000x1024xf32, #tpu.memory_space<hbm>>, %arg4: memref<100000x1024xf32, #tpu.memory_space<hbm>>, %arg5: memref<3x4096x1024xf32, #tpu.memory_space<hbm>>, %arg6: memref<3x128xi32, #tpu.memory_space<vmem>>, %arg7: memref<16x1024xf32, #tpu.memory_space<vmem>>, %arg8: memref<16x1024xf32, #tpu.memory_space<vmem>>, %arg9: memref<16x1024xf32, #tpu.memory_space<vmem>>, %arg10: memref<16x1024xf32, #tpu.memory_space<vmem>>, %arg11: memref<16x1024xf32, #tpu.memory_space<vmem>>, %arg12: memref<16x1024xf32, #tpu.memory_space<vmem>>, %arg13: memref<!tpu.dma_semaphore, #tpu.memory_space<semaphore_mem>>, %arg14: memref<!tpu.dma_semaphore, #tpu.memory_space<semaphore_mem>>, %arg15: memref<!tpu.dma_semaphore, #tpu.memory_space<semaphore_mem>>, %arg16: memref<!tpu.dma_semaphore, #tpu.memory_space<semaphore_mem>>, %arg17: memref<!tpu.dma_semaphore, #tpu.memory_space<semaphore_mem>>, %arg18: memref<!tpu.dma_semaphore, #tpu.memory_space<semaphore_mem>>, %arg19: memref<!tpu.dma_semaphore, #tpu.memory_space<semaphore_mem>>, %arg20: memref<!tpu.dma_semaphore, #tpu.memory_space<semaphore_mem>>, %arg21: memref<!tpu.dma_semaphore, #tpu.memory_space<semaphore_mem>>, %arg22: memref<!tpu.dma_semaphore, #tpu.memory_space<semaphore_mem>>, %arg23: memref<!tpu.dma_semaphore, #tpu.memory_space<semaphore_mem>>, %arg24: memref<!tpu.dma_semaphore, #tpu.memory_space<semaphore_mem>>) attributes {dimension_semantics = [#tpu.dimension_semantics<core_parallel>, #tpu.dimension_semantics<subcore_parallel>], iteration_bounds = array<i64: 2, 16>, scalar_prefetch = 0 : i64, scratch_operands = 19 : i64, tpu.core_type = #tpu.core_type<sc_vector_subcore>, window_params = [{transform_indices = #map}, {transform_indices = #map}, {transform_indices = #map}, {transform_indices = #map1}]} {
    %mul3A = arith.constant 2 : i32
    %mul3A_0 = arith.muli %arg1, %mul3A : i32
    %add3A = arith.addi %mul3A_0, %arg0 : i32
    %mul3A_1 = arith.constant 128 : i32
    %mul3A_2 = arith.muli %add3A, %mul3A_1 : i32
    "tpu.region"() ({
      %run_scoped3A = tpu.sem_alloc : memref<!tpu.dma_semaphore, #tpu.memory_space<semaphore_mem>>
      %dma_start3A_721 = arith.constant 0 : i32
      %dma_start3A_722 = tpu.memref_slice %arg2[%dma_start3A_721, %mul3A_2] : memref<3x4096xi32, #tpu.memory_space<hbm>> -> memref<3x128xi32, #tpu.memory_space<hbm>>
      %dma_start3A_723 = arith.constant 0 : i32
      %dma_start3A_724 = tpu.memref_slice %arg2[%dma_start3A_723, %mul3A_2] : memref<3x4096xi32, #tpu.memory_space<hbm>> -> memref<3x128xi32, #tpu.memory_space<hbm>>
      tpu.enqueue_dma source(%dma_start3A_724 : memref<3x128xi32, #tpu.memory_space<hbm>>) target(%arg6 : memref<3x128xi32, #tpu.memory_space<vmem>>) target_semaphore(%run_scoped3A : memref<!tpu.dma_semaphore, #tpu.memory_space<semaphore_mem>>)
      %dma_wait3A_725 = arith.constant 0 : i32
      %dma_wait3A_726 = tpu.memref_slice %arg2[%dma_wait3A_725, %mul3A_2] : memref<3x4096xi32, #tpu.memory_space<hbm>> -> memref<3x128xi32, #tpu.memory_space<hbm>>
      %dma_wait3A_727 = arith.constant 0 : i32
      %dma_wait3A_728 = tpu.memref_slice %arg2[%dma_wait3A_727, %mul3A_2] : memref<3x4096xi32, #tpu.memory_space<hbm>> -> memref<3x128xi32, #tpu.memory_space<hbm>>
      tpu.wait_dma2 semaphore(%run_scoped3A : memref<!tpu.dma_semaphore, #tpu.memory_space<semaphore_mem>>) src(%dma_wait3A_728 : memref<3x128xi32, #tpu.memory_space<hbm>>) dst(%arg6 : memref<3x128xi32, #tpu.memory_space<vmem>>)
      tpu.yield
    }) : () -> ()
    %dma_start3A = arith.constant 0 : i32
    %dma_start3A_3 = arith.constant 0 : i32
    %dma_start3A_4 = tpu.memref_slice %arg6[%dma_start3A, %dma_start3A_3] : memref<3x128xi32, #tpu.memory_space<vmem>> -> memref<1x16xi32, #tpu.memory_space<vmem>>
    %dma_start3A_5 = tpu.memref_squeeze %dma_start3A_4 : memref<1x16xi32, #tpu.memory_space<vmem>> -> memref<16xi32, #tpu.memory_space<vmem>>
    %dma_start3A_6 = arith.constant 0 : i32
    %dma_start3A_7 = arith.constant 0 : i32
    %dma_start3A_8 = tpu.memref_slice %arg3[%dma_start3A_6, %dma_start3A_7] : memref<100000x1024xf32, #tpu.memory_space<hbm>> -> memref<100000x1024xf32, #tpu.memory_space<hbm>>
    tpu.enqueue_indirect_dma source(%dma_start3A_8 : memref<100000x1024xf32, #tpu.memory_space<hbm>>) target(%arg7 : memref<16x1024xf32, #tpu.memory_space<vmem>>) offsets(%dma_start3A_5 : memref<16xi32, #tpu.memory_space<vmem>>) semaphore(%arg13 : memref<!tpu.dma_semaphore, #tpu.memory_space<semaphore_mem>>)
    %dma_start3A_9 = arith.constant 0 : i32
    %dma_start3A_10 = arith.constant 16 : i32
    %dma_start3A_11 = tpu.memref_slice %arg6[%dma_start3A_9, %dma_start3A_10] : memref<3x128xi32, #tpu.memory_space<vmem>> -> memref<1x16xi32, #tpu.memory_space<vmem>>
    %dma_start3A_12 = tpu.memref_squeeze %dma_start3A_11 : memref<1x16xi32, #tpu.memory_space<vmem>> -> memref<16xi32, #tpu.memory_space<vmem>>
    %dma_start3A_13 = arith.constant 0 : i32
    %dma_start3A_14 = arith.constant 0 : i32
    %dma_start3A_15 = tpu.memref_slice %arg3[%dma_start3A_13, %dma_start3A_14] : memref<100000x1024xf32, #tpu.memory_space<hbm>> -> memref<100000x1024xf32, #tpu.memory_space<hbm>>
    tpu.enqueue_indirect_dma source(%dma_start3A_15 : memref<100000x1024xf32, #tpu.memory_space<hbm>>) target(%arg8 : memref<16x1024xf32, #tpu.memory_space<vmem>>) offsets(%dma_start3A_12 : memref<16xi32, #tpu.memory_space<vmem>>) semaphore(%arg14 : memref<!tpu.dma_semaphore, #tpu.memory_space<semaphore_mem>>)
    %dma_start3A_16 = arith.constant 0 : i32
    %dma_start3A_17 = arith.constant 32 : i32
    %dma_start3A_18 = tpu.memref_slice %arg6[%dma_start3A_16, %dma_start3A_17] : memref<3x128xi32, #tpu.memory_space<vmem>> -> memref<1x16xi32, #tpu.memory_space<vmem>>
    %dma_start3A_19 = tpu.memref_squeeze %dma_start3A_18 : memref<1x16xi32, #tpu.memory_space<vmem>> -> memref<16xi32, #tpu.memory_space<vmem>>
    %dma_start3A_20 = arith.constant 0 : i32
    %dma_start3A_21 = arith.constant 0 : i32
    %dma_start3A_22 = tpu.memref_slice %arg3[%dma_start3A_20, %dma_start3A_21] : memref<100000x1024xf32, #tpu.memory_space<hbm>> -> memref<100000x1024xf32, #tpu.memory_space<hbm>>
    tpu.enqueue_indirect_dma source(%dma_start3A_22 : memref<100000x1024xf32, #tpu.memory_space<hbm>>) target(%arg9 : memref<16x1024xf32, #tpu.memory_space<vmem>>) offsets(%dma_start3A_19 : memref<16xi32, #tpu.memory_space<vmem>>) semaphore(%arg15 : memref<!tpu.dma_semaphore, #tpu.memory_space<semaphore_mem>>)
    %dma_start3A_23 = arith.constant 0 : i32
    %dma_start3A_24 = arith.constant 48 : i32
    %dma_start3A_25 = tpu.memref_slice %arg6[%dma_start3A_23, %dma_start3A_24] : memref<3x128xi32, #tpu.memory_space<vmem>> -> memref<1x16xi32, #tpu.memory_space<vmem>>
    %dma_start3A_26 = tpu.memref_squeeze %dma_start3A_25 : memref<1x16xi32, #tpu.memory_space<vmem>> -> memref<16xi32, #tpu.memory_space<vmem>>
    %dma_start3A_27 = arith.constant 0 : i32
    %dma_start3A_28 = arith.constant 0 : i32
    %dma_start3A_29 = tpu.memref_slice %arg3[%dma_start3A_27, %dma_start3A_28] : memref<100000x1024xf32, #tpu.memory_space<hbm>> -> memref<100000x1024xf32, #tpu.memory_space<hbm>>
    tpu.enqueue_indirect_dma source(%dma_start3A_29 : memref<100000x1024xf32, #tpu.memory_space<hbm>>) target(%arg10 : memref<16x1024xf32, #tpu.memory_space<vmem>>) offsets(%dma_start3A_26 : memref<16xi32, #tpu.memory_space<vmem>>) semaphore(%arg16 : memref<!tpu.dma_semaphore, #tpu.memory_space<semaphore_mem>>)
    %dma_start3A_30 = arith.constant 0 : i32
    %dma_start3A_31 = arith.constant 64 : i32
    %dma_start3A_32 = tpu.memref_slice %arg6[%dma_start3A_30, %dma_start3A_31] : memref<3x128xi32, #tpu.memory_space<vmem>> -> memref<1x16xi32, #tpu.memory_space<vmem>>
    %dma_start3A_33 = tpu.memref_squeeze %dma_start3A_32 : memref<1x16xi32, #tpu.memory_space<vmem>> -> memref<16xi32, #tpu.memory_space<vmem>>
    %dma_start3A_34 = arith.constant 0 : i32
    %dma_start3A_35 = arith.constant 0 : i32
    %dma_start3A_36 = tpu.memref_slice %arg3[%dma_start3A_34, %dma_start3A_35] : memref<100000x1024xf32, #tpu.memory_space<hbm>> -> memref<100000x1024xf32, #tpu.memory_space<hbm>>
    tpu.enqueue_indirect_dma source(%dma_start3A_36 : memref<100000x1024xf32, #tpu.memory_space<hbm>>) target(%arg11 : memref<16x1024xf32, #tpu.memory_space<vmem>>) offsets(%dma_start3A_33 : memref<16xi32, #tpu.memory_space<vmem>>) semaphore(%arg17 : memref<!tpu.dma_semaphore, #tpu.memory_space<semaphore_mem>>)
    %dma_start3A_37 = arith.constant 0 : i32
    %dma_start3A_38 = arith.constant 80 : i32
    %dma_start3A_39 = tpu.memref_slice %arg6[%dma_start3A_37, %dma_start3A_38] : memref<3x128xi32, #tpu.memory_space<vmem>> -> memref<1x16xi32, #tpu.memory_space<vmem>>
    %dma_start3A_40 = tpu.memref_squeeze %dma_start3A_39 : memref<1x16xi32, #tpu.memory_space<vmem>> -> memref<16xi32, #tpu.memory_space<vmem>>
    %dma_start3A_41 = arith.constant 0 : i32
    %dma_start3A_42 = arith.constant 0 : i32
    %dma_start3A_43 = tpu.memref_slice %arg3[%dma_start3A_41, %dma_start3A_42] : memref<100000x1024xf32, #tpu.memory_space<hbm>> -> memref<100000x1024xf32, #tpu.memory_space<hbm>>
    tpu.enqueue_indirect_dma source(%dma_start3A_43 : memref<100000x1024xf32, #tpu.memory_space<hbm>>) target(%arg12 : memref<16x1024xf32, #tpu.memory_space<vmem>>) offsets(%dma_start3A_40 : memref<16xi32, #tpu.memory_space<vmem>>) semaphore(%arg18 : memref<!tpu.dma_semaphore, #tpu.memory_space<semaphore_mem>>)
    %dma_wait3A = arith.constant 0 : i32
    %dma_wait3A_44 = arith.constant 0 : i32
    %dma_wait3A_45 = tpu.memref_slice %arg6[%dma_wait3A, %dma_wait3A_44] : memref<3x128xi32, #tpu.memory_space<vmem>> -> memref<1x16xi32, #tpu.memory_space<vmem>>
    %dma_wait3A_46 = tpu.memref_squeeze %dma_wait3A_45 : memref<1x16xi32, #tpu.memory_space<vmem>> -> memref<16xi32, #tpu.memory_space<vmem>>
    %dma_wait3A_47 = arith.constant 0 : i32
    %dma_wait3A_48 = arith.constant 0 : i32
    %dma_wait3A_49 = tpu.memref_slice %arg3[%dma_wait3A_47, %dma_wait3A_48] : memref<100000x1024xf32, #tpu.memory_space<hbm>> -> memref<100000x1024xf32, #tpu.memory_space<hbm>>
    tpu.wait_indirect_dma semaphore(%arg13 : memref<!tpu.dma_semaphore, #tpu.memory_space<semaphore_mem>>) src(%dma_wait3A_49 : memref<100000x1024xf32, #tpu.memory_space<hbm>>) dst(%arg7 : memref<16x1024xf32, #tpu.memory_space<vmem>>)
    %add3A_50 = arith.constant 0 : i32
    %add3A_51 = arith.addi %mul3A_2, %add3A_50 : i32
    %dma_start3A_52 = arith.constant 0 : i32
    %dma_start3A_53 = arith.constant 0 : i32
    %dma_start3A_54 = tpu.memref_slice %arg5[%dma_start3A_52, %add3A_51, %dma_start3A_53] : memref<3x4096x1024xf32, #tpu.memory_space<hbm>> -> memref<1x16x1024xf32, #tpu.memory_space<hbm>>
    %dma_start3A_55 = tpu.memref_squeeze %dma_start3A_54 : memref<1x16x1024xf32, #tpu.memory_space<hbm>> -> memref<16x1024xf32, #tpu.memory_space<hbm>>
    %dma_start3A_56 = arith.constant 0 : i32
    %dma_start3A_57 = tpu.memref_slice %arg5[%dma_start3A_52, %add3A_51, %dma_start3A_56] : memref<3x4096x1024xf32, #tpu.memory_space<hbm>> -> memref<1x16x1024xf32, #tpu.memory_space<hbm>>
    %dma_start3A_58 = tpu.memref_squeeze %dma_start3A_57 : memref<1x16x1024xf32, #tpu.memory_space<hbm>> -> memref<16x1024xf32, #tpu.memory_space<hbm>>
    tpu.enqueue_dma source(%arg7 : memref<16x1024xf32, #tpu.memory_space<vmem>>) target(%dma_start3A_58 : memref<16x1024xf32, #tpu.memory_space<hbm>>) target_semaphore(%arg19 : memref<!tpu.dma_semaphore, #tpu.memory_space<semaphore_mem>>)
    %dma_wait3A_59 = arith.constant 0 : i32
    %dma_wait3A_60 = arith.constant 0 : i32
    %dma_wait3A_61 = tpu.memref_slice %arg5[%dma_wait3A_59, %add3A_51, %dma_wait3A_60] : memref<3x4096x1024xf32, #tpu.memory_space<hbm>> -> memref<1x16x1024xf32, #tpu.memory_space<hbm>>
    %dma_wait3A_62 = tpu.memref_squeeze %dma_wait3A_61 : memref<1x16x1024xf32, #tpu.memory_space<hbm>> -> memref<16x1024xf32, #tpu.memory_space<hbm>>
    %dma_wait3A_63 = arith.constant 0 : i32
    %dma_wait3A_64 = tpu.memref_slice %arg5[%dma_wait3A_59, %add3A_51, %dma_wait3A_63] : memref<3x4096x1024xf32, #tpu.memory_space<hbm>> -> memref<1x16x1024xf32, #tpu.memory_space<hbm>>
    %dma_wait3A_65 = tpu.memref_squeeze %dma_wait3A_64 : memref<1x16x1024xf32, #tpu.memory_space<hbm>> -> memref<16x1024xf32, #tpu.memory_space<hbm>>
    tpu.wait_dma2 semaphore(%arg19 : memref<!tpu.dma_semaphore, #tpu.memory_space<semaphore_mem>>) src(%arg7 : memref<16x1024xf32, #tpu.memory_space<vmem>>) dst(%dma_wait3A_65 : memref<16x1024xf32, #tpu.memory_space<hbm>>)
    %dma_start3A_66 = arith.constant 0 : i32
    %dma_start3A_67 = arith.constant 96 : i32
    %dma_start3A_68 = tpu.memref_slice %arg6[%dma_start3A_66, %dma_start3A_67] : memref<3x128xi32, #tpu.memory_space<vmem>> -> memref<1x16xi32, #tpu.memory_space<vmem>>
    %dma_start3A_69 = tpu.memref_squeeze %dma_start3A_68 : memref<1x16xi32, #tpu.memory_space<vmem>> -> memref<16xi32, #tpu.memory_space<vmem>>
    %dma_start3A_70 = arith.constant 0 : i32
    %dma_start3A_71 = arith.constant 0 : i32
    %dma_start3A_72 = tpu.memref_slice %arg3[%dma_start3A_70, %dma_start3A_71] : memref<100000x1024xf32, #tpu.memory_space<hbm>> -> memref<100000x1024xf32, #tpu.memory_space<hbm>>
    tpu.enqueue_indirect_dma source(%dma_start3A_72 : memref<100000x1024xf32, #tpu.memory_space<hbm>>) target(%arg7 : memref<16x1024xf32, #tpu.memory_space<vmem>>) offsets(%dma_start3A_69 : memref<16xi32, #tpu.memory_space<vmem>>) semaphore(%arg13 : memref<!tpu.dma_semaphore, #tpu.memory_space<semaphore_mem>>)
    %dma_wait3A_73 = arith.constant 0 : i32
    %dma_wait3A_74 = arith.constant 16 : i32
    %dma_wait3A_75 = tpu.memref_slice %arg6[%dma_wait3A_73, %dma_wait3A_74] : memref<3x128xi32, #tpu.memory_space<vmem>> -> memref<1x16xi32, #tpu.memory_space<vmem>>
    %dma_wait3A_76 = tpu.memref_squeeze %dma_wait3A_75 : memref<1x16xi32, #tpu.memory_space<vmem>> -> memref<16xi32, #tpu.memory_space<vmem>>
    %dma_wait3A_77 = arith.constant 0 : i32
    %dma_wait3A_78 = arith.constant 0 : i32
    %dma_wait3A_79 = tpu.memref_slice %arg3[%dma_wait3A_77, %dma_wait3A_78] : memref<100000x1024xf32, #tpu.memory_space<hbm>> -> memref<100000x1024xf32, #tpu.memory_space<hbm>>
    tpu.wait_indirect_dma semaphore(%arg14 : memref<!tpu.dma_semaphore, #tpu.memory_space<semaphore_mem>>) src(%dma_wait3A_79 : memref<100000x1024xf32, #tpu.memory_space<hbm>>) dst(%arg8 : memref<16x1024xf32, #tpu.memory_space<vmem>>)
    %add3A_80 = arith.constant 16 : i32
    %add3A_81 = arith.addi %mul3A_2, %add3A_80 : i32
    %dma_start3A_82 = arith.constant 0 : i32
    %dma_start3A_83 = arith.constant 0 : i32
    %dma_start3A_84 = tpu.memref_slice %arg5[%dma_start3A_82, %add3A_81, %dma_start3A_83] : memref<3x4096x1024xf32, #tpu.memory_space<hbm>> -> memref<1x16x1024xf32, #tpu.memory_space<hbm>>
    %dma_start3A_85 = tpu.memref_squeeze %dma_start3A_84 : memref<1x16x1024xf32, #tpu.memory_space<hbm>> -> memref<16x1024xf32, #tpu.memory_space<hbm>>
    %dma_start3A_86 = arith.constant 0 : i32
    %dma_start3A_87 = tpu.memref_slice %arg5[%dma_start3A_82, %add3A_81, %dma_start3A_86] : memref<3x4096x1024xf32, #tpu.memory_space<hbm>> -> memref<1x16x1024xf32, #tpu.memory_space<hbm>>
    %dma_start3A_88 = tpu.memref_squeeze %dma_start3A_87 : memref<1x16x1024xf32, #tpu.memory_space<hbm>> -> memref<16x1024xf32, #tpu.memory_space<hbm>>
    tpu.enqueue_dma source(%arg8 : memref<16x1024xf32, #tpu.memory_space<vmem>>) target(%dma_start3A_88 : memref<16x1024xf32, #tpu.memory_space<hbm>>) target_semaphore(%arg20 : memref<!tpu.dma_semaphore, #tpu.memory_space<semaphore_mem>>)
    %dma_wait3A_89 = arith.constant 0 : i32
    %dma_wait3A_90 = arith.constant 0 : i32
    %dma_wait3A_91 = tpu.memref_slice %arg5[%dma_wait3A_89, %add3A_81, %dma_wait3A_90] : memref<3x4096x1024xf32, #tpu.memory_space<hbm>> -> memref<1x16x1024xf32, #tpu.memory_space<hbm>>
    %dma_wait3A_92 = tpu.memref_squeeze %dma_wait3A_91 : memref<1x16x1024xf32, #tpu.memory_space<hbm>> -> memref<16x1024xf32, #tpu.memory_space<hbm>>
    %dma_wait3A_93 = arith.constant 0 : i32
    %dma_wait3A_94 = tpu.memref_slice %arg5[%dma_wait3A_89, %add3A_81, %dma_wait3A_93] : memref<3x4096x1024xf32, #tpu.memory_space<hbm>> -> memref<1x16x1024xf32, #tpu.memory_space<hbm>>
    %dma_wait3A_95 = tpu.memref_squeeze %dma_wait3A_94 : memref<1x16x1024xf32, #tpu.memory_space<hbm>> -> memref<16x1024xf32, #tpu.memory_space<hbm>>
    tpu.wait_dma2 semaphore(%arg20 : memref<!tpu.dma_semaphore, #tpu.memory_space<semaphore_mem>>) src(%arg8 : memref<16x1024xf32, #tpu.memory_space<vmem>>) dst(%dma_wait3A_95 : memref<16x1024xf32, #tpu.memory_space<hbm>>)
    %dma_start3A_96 = arith.constant 0 : i32
    %dma_start3A_97 = arith.constant 112 : i32
    %dma_start3A_98 = tpu.memref_slice %arg6[%dma_start3A_96, %dma_start3A_97] : memref<3x128xi32, #tpu.memory_space<vmem>> -> memref<1x16xi32, #tpu.memory_space<vmem>>
    %dma_start3A_99 = tpu.memref_squeeze %dma_start3A_98 : memref<1x16xi32, #tpu.memory_space<vmem>> -> memref<16xi32, #tpu.memory_space<vmem>>
    %dma_start3A_100 = arith.constant 0 : i32
    %dma_start3A_101 = arith.constant 0 : i32
    %dma_start3A_102 = tpu.memref_slice %arg3[%dma_start3A_100, %dma_start3A_101] : memref<100000x1024xf32, #tpu.memory_space<hbm>> -> memref<100000x1024xf32, #tpu.memory_space<hbm>>
    tpu.enqueue_indirect_dma source(%dma_start3A_102 : memref<100000x1024xf32, #tpu.memory_space<hbm>>) target(%arg8 : memref<16x1024xf32, #tpu.memory_space<vmem>>) offsets(%dma_start3A_99 : memref<16xi32, #tpu.memory_space<vmem>>) semaphore(%arg14 : memref<!tpu.dma_semaphore, #tpu.memory_space<semaphore_mem>>)
    %dma_wait3A_103 = arith.constant 0 : i32
    %dma_wait3A_104 = arith.constant 32 : i32
    %dma_wait3A_105 = tpu.memref_slice %arg6[%dma_wait3A_103, %dma_wait3A_104] : memref<3x128xi32, #tpu.memory_space<vmem>> -> memref<1x16xi32, #tpu.memory_space<vmem>>
    %dma_wait3A_106 = tpu.memref_squeeze %dma_wait3A_105 : memref<1x16xi32, #tpu.memory_space<vmem>> -> memref<16xi32, #tpu.memory_space<vmem>>
    %dma_wait3A_107 = arith.constant 0 : i32
    %dma_wait3A_108 = arith.constant 0 : i32
    %dma_wait3A_109 = tpu.memref_slice %arg3[%dma_wait3A_107, %dma_wait3A_108] : memref<100000x1024xf32, #tpu.memory_space<hbm>> -> memref<100000x1024xf32, #tpu.memory_space<hbm>>
    tpu.wait_indirect_dma semaphore(%arg15 : memref<!tpu.dma_semaphore, #tpu.memory_space<semaphore_mem>>) src(%dma_wait3A_109 : memref<100000x1024xf32, #tpu.memory_space<hbm>>) dst(%arg9 : memref<16x1024xf32, #tpu.memory_space<vmem>>)
    %add3A_110 = arith.constant 32 : i32
    %add3A_111 = arith.addi %mul3A_2, %add3A_110 : i32
    %dma_start3A_112 = arith.constant 0 : i32
    %dma_start3A_113 = arith.constant 0 : i32
    %dma_start3A_114 = tpu.memref_slice %arg5[%dma_start3A_112, %add3A_111, %dma_start3A_113] : memref<3x4096x1024xf32, #tpu.memory_space<hbm>> -> memref<1x16x1024xf32, #tpu.memory_space<hbm>>
    %dma_start3A_115 = tpu.memref_squeeze %dma_start3A_114 : memref<1x16x1024xf32, #tpu.memory_space<hbm>> -> memref<16x1024xf32, #tpu.memory_space<hbm>>
    %dma_start3A_116 = arith.constant 0 : i32
    %dma_start3A_117 = tpu.memref_slice %arg5[%dma_start3A_112, %add3A_111, %dma_start3A_116] : memref<3x4096x1024xf32, #tpu.memory_space<hbm>> -> memref<1x16x1024xf32, #tpu.memory_space<hbm>>
    %dma_start3A_118 = tpu.memref_squeeze %dma_start3A_117 : memref<1x16x1024xf32, #tpu.memory_space<hbm>> -> memref<16x1024xf32, #tpu.memory_space<hbm>>
    tpu.enqueue_dma source(%arg9 : memref<16x1024xf32, #tpu.memory_space<vmem>>) target(%dma_start3A_118 : memref<16x1024xf32, #tpu.memory_space<hbm>>) target_semaphore(%arg21 : memref<!tpu.dma_semaphore, #tpu.memory_space<semaphore_mem>>)
    %dma_wait3A_119 = arith.constant 0 : i32
    %dma_wait3A_120 = arith.constant 0 : i32
    %dma_wait3A_121 = tpu.memref_slice %arg5[%dma_wait3A_119, %add3A_111, %dma_wait3A_120] : memref<3x4096x1024xf32, #tpu.memory_space<hbm>> -> memref<1x16x1024xf32, #tpu.memory_space<hbm>>
    %dma_wait3A_122 = tpu.memref_squeeze %dma_wait3A_121 : memref<1x16x1024xf32, #tpu.memory_space<hbm>> -> memref<16x1024xf32, #tpu.memory_space<hbm>>
    %dma_wait3A_123 = arith.constant 0 : i32
    %dma_wait3A_124 = tpu.memref_slice %arg5[%dma_wait3A_119, %add3A_111, %dma_wait3A_123] : memref<3x4096x1024xf32, #tpu.memory_space<hbm>> -> memref<1x16x1024xf32, #tpu.memory_space<hbm>>
    %dma_wait3A_125 = tpu.memref_squeeze %dma_wait3A_124 : memref<1x16x1024xf32, #tpu.memory_space<hbm>> -> memref<16x1024xf32, #tpu.memory_space<hbm>>
    tpu.wait_dma2 semaphore(%arg21 : memref<!tpu.dma_semaphore, #tpu.memory_space<semaphore_mem>>) src(%arg9 : memref<16x1024xf32, #tpu.memory_space<vmem>>) dst(%dma_wait3A_125 : memref<16x1024xf32, #tpu.memory_space<hbm>>)
    %dma_start3A_126 = arith.constant 1 : i32
    %dma_start3A_127 = arith.constant 0 : i32
    %dma_start3A_128 = tpu.memref_slice %arg6[%dma_start3A_126, %dma_start3A_127] : memref<3x128xi32, #tpu.memory_space<vmem>> -> memref<1x16xi32, #tpu.memory_space<vmem>>
    %dma_start3A_129 = tpu.memref_squeeze %dma_start3A_128 : memref<1x16xi32, #tpu.memory_space<vmem>> -> memref<16xi32, #tpu.memory_space<vmem>>
    %dma_start3A_130 = arith.constant 0 : i32
    %dma_start3A_131 = arith.constant 0 : i32
    %dma_start3A_132 = tpu.memref_slice %arg4[%dma_start3A_130, %dma_start3A_131] : memref<100000x1024xf32, #tpu.memory_space<hbm>> -> memref<100000x1024xf32, #tpu.memory_space<hbm>>
    tpu.enqueue_indirect_dma source(%dma_start3A_132 : memref<100000x1024xf32, #tpu.memory_space<hbm>>) target(%arg9 : memref<16x1024xf32, #tpu.memory_space<vmem>>) offsets(%dma_start3A_129 : memref<16xi32, #tpu.memory_space<vmem>>) semaphore(%arg15 : memref<!tpu.dma_semaphore, #tpu.memory_space<semaphore_mem>>)
    %dma_wait3A_133 = arith.constant 0 : i32
    %dma_wait3A_134 = arith.constant 48 : i32
    %dma_wait3A_135 = tpu.memref_slice %arg6[%dma_wait3A_133, %dma_wait3A_134] : memref<3x128xi32, #tpu.memory_space<vmem>> -> memref<1x16xi32, #tpu.memory_space<vmem>>
    %dma_wait3A_136 = tpu.memref_squeeze %dma_wait3A_135 : memref<1x16xi32, #tpu.memory_space<vmem>> -> memref<16xi32, #tpu.memory_space<vmem>>
    %dma_wait3A_137 = arith.constant 0 : i32
    %dma_wait3A_138 = arith.constant 0 : i32
    %dma_wait3A_139 = tpu.memref_slice %arg3[%dma_wait3A_137, %dma_wait3A_138] : memref<100000x1024xf32, #tpu.memory_space<hbm>> -> memref<100000x1024xf32, #tpu.memory_space<hbm>>
    tpu.wait_indirect_dma semaphore(%arg16 : memref<!tpu.dma_semaphore, #tpu.memory_space<semaphore_mem>>) src(%dma_wait3A_139 : memref<100000x1024xf32, #tpu.memory_space<hbm>>) dst(%arg10 : memref<16x1024xf32, #tpu.memory_space<vmem>>)
    %add3A_140 = arith.constant 48 : i32
    %add3A_141 = arith.addi %mul3A_2, %add3A_140 : i32
    %dma_start3A_142 = arith.constant 0 : i32
    %dma_start3A_143 = arith.constant 0 : i32
    %dma_start3A_144 = tpu.memref_slice %arg5[%dma_start3A_142, %add3A_141, %dma_start3A_143] : memref<3x4096x1024xf32, #tpu.memory_space<hbm>> -> memref<1x16x1024xf32, #tpu.memory_space<hbm>>
    %dma_start3A_145 = tpu.memref_squeeze %dma_start3A_144 : memref<1x16x1024xf32, #tpu.memory_space<hbm>> -> memref<16x1024xf32, #tpu.memory_space<hbm>>
    %dma_start3A_146 = arith.constant 0 : i32
    %dma_start3A_147 = tpu.memref_slice %arg5[%dma_start3A_142, %add3A_141, %dma_start3A_146] : memref<3x4096x1024xf32, #tpu.memory_space<hbm>> -> memref<1x16x1024xf32, #tpu.memory_space<hbm>>
    %dma_start3A_148 = tpu.memref_squeeze %dma_start3A_147 : memref<1x16x1024xf32, #tpu.memory_space<hbm>> -> memref<16x1024xf32, #tpu.memory_space<hbm>>
    tpu.enqueue_dma source(%arg10 : memref<16x1024xf32, #tpu.memory_space<vmem>>) target(%dma_start3A_148 : memref<16x1024xf32, #tpu.memory_space<hbm>>) target_semaphore(%arg22 : memref<!tpu.dma_semaphore, #tpu.memory_space<semaphore_mem>>)
    %dma_wait3A_149 = arith.constant 0 : i32
    %dma_wait3A_150 = arith.constant 0 : i32
    %dma_wait3A_151 = tpu.memref_slice %arg5[%dma_wait3A_149, %add3A_141, %dma_wait3A_150] : memref<3x4096x1024xf32, #tpu.memory_space<hbm>> -> memref<1x16x1024xf32, #tpu.memory_space<hbm>>
    %dma_wait3A_152 = tpu.memref_squeeze %dma_wait3A_151 : memref<1x16x1024xf32, #tpu.memory_space<hbm>> -> memref<16x1024xf32, #tpu.memory_space<hbm>>
    %dma_wait3A_153 = arith.constant 0 : i32
    %dma_wait3A_154 = tpu.memref_slice %arg5[%dma_wait3A_149, %add3A_141, %dma_wait3A_153] : memref<3x4096x1024xf32, #tpu.memory_space<hbm>> -> memref<1x16x1024xf32, #tpu.memory_space<hbm>>
    %dma_wait3A_155 = tpu.memref_squeeze %dma_wait3A_154 : memref<1x16x1024xf32, #tpu.memory_space<hbm>> -> memref<16x1024xf32, #tpu.memory_space<hbm>>
    tpu.wait_dma2 semaphore(%arg22 : memref<!tpu.dma_semaphore, #tpu.memory_space<semaphore_mem>>) src(%arg10 : memref<16x1024xf32, #tpu.memory_space<vmem>>) dst(%dma_wait3A_155 : memref<16x1024xf32, #tpu.memory_space<hbm>>)
    %dma_start3A_156 = arith.constant 1 : i32
    %dma_start3A_157 = arith.constant 16 : i32
    %dma_start3A_158 = tpu.memref_slice %arg6[%dma_start3A_156, %dma_start3A_157] : memref<3x128xi32, #tpu.memory_space<vmem>> -> memref<1x16xi32, #tpu.memory_space<vmem>>
    %dma_start3A_159 = tpu.memref_squeeze %dma_start3A_158 : memref<1x16xi32, #tpu.memory_space<vmem>> -> memref<16xi32, #tpu.memory_space<vmem>>
    %dma_start3A_160 = arith.constant 0 : i32
    %dma_start3A_161 = arith.constant 0 : i32
    %dma_start3A_162 = tpu.memref_slice %arg4[%dma_start3A_160, %dma_start3A_161] : memref<100000x1024xf32, #tpu.memory_space<hbm>> -> memref<100000x1024xf32, #tpu.memory_space<hbm>>
    tpu.enqueue_indirect_dma source(%dma_start3A_162 : memref<100000x1024xf32, #tpu.memory_space<hbm>>) target(%arg10 : memref<16x1024xf32, #tpu.memory_space<vmem>>) offsets(%dma_start3A_159 : memref<16xi32, #tpu.memory_space<vmem>>) semaphore(%arg16 : memref<!tpu.dma_semaphore, #tpu.memory_space<semaphore_mem>>)
    %dma_wait3A_163 = arith.constant 0 : i32
    %dma_wait3A_164 = arith.constant 64 : i32
    %dma_wait3A_165 = tpu.memref_slice %arg6[%dma_wait3A_163, %dma_wait3A_164] : memref<3x128xi32, #tpu.memory_space<vmem>> -> memref<1x16xi32, #tpu.memory_space<vmem>>
    %dma_wait3A_166 = tpu.memref_squeeze %dma_wait3A_165 : memref<1x16xi32, #tpu.memory_space<vmem>> -> memref<16xi32, #tpu.memory_space<vmem>>
    %dma_wait3A_167 = arith.constant 0 : i32
    %dma_wait3A_168 = arith.constant 0 : i32
    %dma_wait3A_169 = tpu.memref_slice %arg3[%dma_wait3A_167, %dma_wait3A_168] : memref<100000x1024xf32, #tpu.memory_space<hbm>> -> memref<100000x1024xf32, #tpu.memory_space<hbm>>
    tpu.wait_indirect_dma semaphore(%arg17 : memref<!tpu.dma_semaphore, #tpu.memory_space<semaphore_mem>>) src(%dma_wait3A_169 : memref<100000x1024xf32, #tpu.memory_space<hbm>>) dst(%arg11 : memref<16x1024xf32, #tpu.memory_space<vmem>>)
    %add3A_170 = arith.constant 64 : i32
    %add3A_171 = arith.addi %mul3A_2, %add3A_170 : i32
    %dma_start3A_172 = arith.constant 0 : i32
    %dma_start3A_173 = arith.constant 0 : i32
    %dma_start3A_174 = tpu.memref_slice %arg5[%dma_start3A_172, %add3A_171, %dma_start3A_173] : memref<3x4096x1024xf32, #tpu.memory_space<hbm>> -> memref<1x16x1024xf32, #tpu.memory_space<hbm>>
    %dma_start3A_175 = tpu.memref_squeeze %dma_start3A_174 : memref<1x16x1024xf32, #tpu.memory_space<hbm>> -> memref<16x1024xf32, #tpu.memory_space<hbm>>
    %dma_start3A_176 = arith.constant 0 : i32
    %dma_start3A_177 = tpu.memref_slice %arg5[%dma_start3A_172, %add3A_171, %dma_start3A_176] : memref<3x4096x1024xf32, #tpu.memory_space<hbm>> -> memref<1x16x1024xf32, #tpu.memory_space<hbm>>
    %dma_start3A_178 = tpu.memref_squeeze %dma_start3A_177 : memref<1x16x1024xf32, #tpu.memory_space<hbm>> -> memref<16x1024xf32, #tpu.memory_space<hbm>>
    tpu.enqueue_dma source(%arg11 : memref<16x1024xf32, #tpu.memory_space<vmem>>) target(%dma_start3A_178 : memref<16x1024xf32, #tpu.memory_space<hbm>>) target_semaphore(%arg23 : memref<!tpu.dma_semaphore, #tpu.memory_space<semaphore_mem>>)
    %dma_wait3A_179 = arith.constant 0 : i32
    %dma_wait3A_180 = arith.constant 0 : i32
    %dma_wait3A_181 = tpu.memref_slice %arg5[%dma_wait3A_179, %add3A_171, %dma_wait3A_180] : memref<3x4096x1024xf32, #tpu.memory_space<hbm>> -> memref<1x16x1024xf32, #tpu.memory_space<hbm>>
    %dma_wait3A_182 = tpu.memref_squeeze %dma_wait3A_181 : memref<1x16x1024xf32, #tpu.memory_space<hbm>> -> memref<16x1024xf32, #tpu.memory_space<hbm>>
    %dma_wait3A_183 = arith.constant 0 : i32
    %dma_wait3A_184 = tpu.memref_slice %arg5[%dma_wait3A_179, %add3A_171, %dma_wait3A_183] : memref<3x4096x1024xf32, #tpu.memory_space<hbm>> -> memref<1x16x1024xf32, #tpu.memory_space<hbm>>
    %dma_wait3A_185 = tpu.memref_squeeze %dma_wait3A_184 : memref<1x16x1024xf32, #tpu.memory_space<hbm>> -> memref<16x1024xf32, #tpu.memory_space<hbm>>
    tpu.wait_dma2 semaphore(%arg23 : memref<!tpu.dma_semaphore, #tpu.memory_space<semaphore_mem>>) src(%arg11 : memref<16x1024xf32, #tpu.memory_space<vmem>>) dst(%dma_wait3A_185 : memref<16x1024xf32, #tpu.memory_space<hbm>>)
    %dma_start3A_186 = arith.constant 1 : i32
    %dma_start3A_187 = arith.constant 32 : i32
    %dma_start3A_188 = tpu.memref_slice %arg6[%dma_start3A_186, %dma_start3A_187] : memref<3x128xi32, #tpu.memory_space<vmem>> -> memref<1x16xi32, #tpu.memory_space<vmem>>
    %dma_start3A_189 = tpu.memref_squeeze %dma_start3A_188 : memref<1x16xi32, #tpu.memory_space<vmem>> -> memref<16xi32, #tpu.memory_space<vmem>>
    %dma_start3A_190 = arith.constant 0 : i32
    %dma_start3A_191 = arith.constant 0 : i32
    %dma_start3A_192 = tpu.memref_slice %arg4[%dma_start3A_190, %dma_start3A_191] : memref<100000x1024xf32, #tpu.memory_space<hbm>> -> memref<100000x1024xf32, #tpu.memory_space<hbm>>
    tpu.enqueue_indirect_dma source(%dma_start3A_192 : memref<100000x1024xf32, #tpu.memory_space<hbm>>) target(%arg11 : memref<16x1024xf32, #tpu.memory_space<vmem>>) offsets(%dma_start3A_189 : memref<16xi32, #tpu.memory_space<vmem>>) semaphore(%arg17 : memref<!tpu.dma_semaphore, #tpu.memory_space<semaphore_mem>>)
    %dma_wait3A_193 = arith.constant 0 : i32
    %dma_wait3A_194 = arith.constant 80 : i32
    %dma_wait3A_195 = tpu.memref_slice %arg6[%dma_wait3A_193, %dma_wait3A_194] : memref<3x128xi32, #tpu.memory_space<vmem>> -> memref<1x16xi32, #tpu.memory_space<vmem>>
    %dma_wait3A_196 = tpu.memref_squeeze %dma_wait3A_195 : memref<1x16xi32, #tpu.memory_space<vmem>> -> memref<16xi32, #tpu.memory_space<vmem>>
    %dma_wait3A_197 = arith.constant 0 : i32
    %dma_wait3A_198 = arith.constant 0 : i32
    %dma_wait3A_199 = tpu.memref_slice %arg3[%dma_wait3A_197, %dma_wait3A_198] : memref<100000x1024xf32, #tpu.memory_space<hbm>> -> memref<100000x1024xf32, #tpu.memory_space<hbm>>
    tpu.wait_indirect_dma semaphore(%arg18 : memref<!tpu.dma_semaphore, #tpu.memory_space<semaphore_mem>>) src(%dma_wait3A_199 : memref<100000x1024xf32, #tpu.memory_space<hbm>>) dst(%arg12 : memref<16x1024xf32, #tpu.memory_space<vmem>>)
    %add3A_200 = arith.constant 80 : i32
    %add3A_201 = arith.addi %mul3A_2, %add3A_200 : i32
    %dma_start3A_202 = arith.constant 0 : i32
    %dma_start3A_203 = arith.constant 0 : i32
    %dma_start3A_204 = tpu.memref_slice %arg5[%dma_start3A_202, %add3A_201, %dma_start3A_203] : memref<3x4096x1024xf32, #tpu.memory_space<hbm>> -> memref<1x16x1024xf32, #tpu.memory_space<hbm>>
    %dma_start3A_205 = tpu.memref_squeeze %dma_start3A_204 : memref<1x16x1024xf32, #tpu.memory_space<hbm>> -> memref<16x1024xf32, #tpu.memory_space<hbm>>
    %dma_start3A_206 = arith.constant 0 : i32
    %dma_start3A_207 = tpu.memref_slice %arg5[%dma_start3A_202, %add3A_201, %dma_start3A_206] : memref<3x4096x1024xf32, #tpu.memory_space<hbm>> -> memref<1x16x1024xf32, #tpu.memory_space<hbm>>
    %dma_start3A_208 = tpu.memref_squeeze %dma_start3A_207 : memref<1x16x1024xf32, #tpu.memory_space<hbm>> -> memref<16x1024xf32, #tpu.memory_space<hbm>>
    tpu.enqueue_dma source(%arg12 : memref<16x1024xf32, #tpu.memory_space<vmem>>) target(%dma_start3A_208 : memref<16x1024xf32, #tpu.memory_space<hbm>>) target_semaphore(%arg24 : memref<!tpu.dma_semaphore, #tpu.memory_space<semaphore_mem>>)
    %dma_wait3A_209 = arith.constant 0 : i32
    %dma_wait3A_210 = arith.constant 0 : i32
    %dma_wait3A_211 = tpu.memref_slice %arg5[%dma_wait3A_209, %add3A_201, %dma_wait3A_210] : memref<3x4096x1024xf32, #tpu.memory_space<hbm>> -> memref<1x16x1024xf32, #tpu.memory_space<hbm>>
    %dma_wait3A_212 = tpu.memref_squeeze %dma_wait3A_211 : memref<1x16x1024xf32, #tpu.memory_space<hbm>> -> memref<16x1024xf32, #tpu.memory_space<hbm>>
    %dma_wait3A_213 = arith.constant 0 : i32
    %dma_wait3A_214 = tpu.memref_slice %arg5[%dma_wait3A_209, %add3A_201, %dma_wait3A_213] : memref<3x4096x1024xf32, #tpu.memory_space<hbm>> -> memref<1x16x1024xf32, #tpu.memory_space<hbm>>
    %dma_wait3A_215 = tpu.memref_squeeze %dma_wait3A_214 : memref<1x16x1024xf32, #tpu.memory_space<hbm>> -> memref<16x1024xf32, #tpu.memory_space<hbm>>
    tpu.wait_dma2 semaphore(%arg24 : memref<!tpu.dma_semaphore, #tpu.memory_space<semaphore_mem>>) src(%arg12 : memref<16x1024xf32, #tpu.memory_space<vmem>>) dst(%dma_wait3A_215 : memref<16x1024xf32, #tpu.memory_space<hbm>>)
    %dma_start3A_216 = arith.constant 1 : i32
    %dma_start3A_217 = arith.constant 48 : i32
    %dma_start3A_218 = tpu.memref_slice %arg6[%dma_start3A_216, %dma_start3A_217] : memref<3x128xi32, #tpu.memory_space<vmem>> -> memref<1x16xi32, #tpu.memory_space<vmem>>
    %dma_start3A_219 = tpu.memref_squeeze %dma_start3A_218 : memref<1x16xi32, #tpu.memory_space<vmem>> -> memref<16xi32, #tpu.memory_space<vmem>>
    %dma_start3A_220 = arith.constant 0 : i32
    %dma_start3A_221 = arith.constant 0 : i32
    %dma_start3A_222 = tpu.memref_slice %arg4[%dma_start3A_220, %dma_start3A_221] : memref<100000x1024xf32, #tpu.memory_space<hbm>> -> memref<100000x1024xf32, #tpu.memory_space<hbm>>
    tpu.enqueue_indirect_dma source(%dma_start3A_222 : memref<100000x1024xf32, #tpu.memory_space<hbm>>) target(%arg12 : memref<16x1024xf32, #tpu.memory_space<vmem>>) offsets(%dma_start3A_219 : memref<16xi32, #tpu.memory_space<vmem>>) semaphore(%arg18 : memref<!tpu.dma_semaphore, #tpu.memory_space<semaphore_mem>>)
    %dma_wait3A_223 = arith.constant 0 : i32
    %dma_wait3A_224 = arith.constant 96 : i32
    %dma_wait3A_225 = tpu.memref_slice %arg6[%dma_wait3A_223, %dma_wait3A_224] : memref<3x128xi32, #tpu.memory_space<vmem>> -> memref<1x16xi32, #tpu.memory_space<vmem>>
    %dma_wait3A_226 = tpu.memref_squeeze %dma_wait3A_225 : memref<1x16xi32, #tpu.memory_space<vmem>> -> memref<16xi32, #tpu.memory_space<vmem>>
    %dma_wait3A_227 = arith.constant 0 : i32
    %dma_wait3A_228 = arith.constant 0 : i32
    %dma_wait3A_229 = tpu.memref_slice %arg3[%dma_wait3A_227, %dma_wait3A_228] : memref<100000x1024xf32, #tpu.memory_space<hbm>> -> memref<100000x1024xf32, #tpu.memory_space<hbm>>
    tpu.wait_indirect_dma semaphore(%arg13 : memref<!tpu.dma_semaphore, #tpu.memory_space<semaphore_mem>>) src(%dma_wait3A_229 : memref<100000x1024xf32, #tpu.memory_space<hbm>>) dst(%arg7 : memref<16x1024xf32, #tpu.memory_space<vmem>>)
    %add3A_230 = arith.constant 96 : i32
    %add3A_231 = arith.addi %mul3A_2, %add3A_230 : i32
    %dma_start3A_232 = arith.constant 0 : i32
    %dma_start3A_233 = arith.constant 0 : i32
    %dma_start3A_234 = tpu.memref_slice %arg5[%dma_start3A_232, %add3A_231, %dma_start3A_233] : memref<3x4096x1024xf32, #tpu.memory_space<hbm>> -> memref<1x16x1024xf32, #tpu.memory_space<hbm>>
    %dma_start3A_235 = tpu.memref_squeeze %dma_start3A_234 : memref<1x16x1024xf32, #tpu.memory_space<hbm>> -> memref<16x1024xf32, #tpu.memory_space<hbm>>
    %dma_start3A_236 = arith.constant 0 : i32
    %dma_start3A_237 = tpu.memref_slice %arg5[%dma_start3A_232, %add3A_231, %dma_start3A_236] : memref<3x4096x1024xf32, #tpu.memory_space<hbm>> -> memref<1x16x1024xf32, #tpu.memory_space<hbm>>
    %dma_start3A_238 = tpu.memref_squeeze %dma_start3A_237 : memref<1x16x1024xf32, #tpu.memory_space<hbm>> -> memref<16x1024xf32, #tpu.memory_space<hbm>>
    tpu.enqueue_dma source(%arg7 : memref<16x1024xf32, #tpu.memory_space<vmem>>) target(%dma_start3A_238 : memref<16x1024xf32, #tpu.memory_space<hbm>>) target_semaphore(%arg19 : memref<!tpu.dma_semaphore, #tpu.memory_space<semaphore_mem>>)
    %dma_wait3A_239 = arith.constant 0 : i32
    %dma_wait3A_240 = arith.constant 0 : i32
    %dma_wait3A_241 = tpu.memref_slice %arg5[%dma_wait3A_239, %add3A_231, %dma_wait3A_240] : memref<3x4096x1024xf32, #tpu.memory_space<hbm>> -> memref<1x16x1024xf32, #tpu.memory_space<hbm>>
    %dma_wait3A_242 = tpu.memref_squeeze %dma_wait3A_241 : memref<1x16x1024xf32, #tpu.memory_space<hbm>> -> memref<16x1024xf32, #tpu.memory_space<hbm>>
    %dma_wait3A_243 = arith.constant 0 : i32
    %dma_wait3A_244 = tpu.memref_slice %arg5[%dma_wait3A_239, %add3A_231, %dma_wait3A_243] : memref<3x4096x1024xf32, #tpu.memory_space<hbm>> -> memref<1x16x1024xf32, #tpu.memory_space<hbm>>
    %dma_wait3A_245 = tpu.memref_squeeze %dma_wait3A_244 : memref<1x16x1024xf32, #tpu.memory_space<hbm>> -> memref<16x1024xf32, #tpu.memory_space<hbm>>
    tpu.wait_dma2 semaphore(%arg19 : memref<!tpu.dma_semaphore, #tpu.memory_space<semaphore_mem>>) src(%arg7 : memref<16x1024xf32, #tpu.memory_space<vmem>>) dst(%dma_wait3A_245 : memref<16x1024xf32, #tpu.memory_space<hbm>>)
    %dma_start3A_246 = arith.constant 1 : i32
    %dma_start3A_247 = arith.constant 64 : i32
    %dma_start3A_248 = tpu.memref_slice %arg6[%dma_start3A_246, %dma_start3A_247] : memref<3x128xi32, #tpu.memory_space<vmem>> -> memref<1x16xi32, #tpu.memory_space<vmem>>
    %dma_start3A_249 = tpu.memref_squeeze %dma_start3A_248 : memref<1x16xi32, #tpu.memory_space<vmem>> -> memref<16xi32, #tpu.memory_space<vmem>>
    %dma_start3A_250 = arith.constant 0 : i32
    %dma_start3A_251 = arith.constant 0 : i32
    %dma_start3A_252 = tpu.memref_slice %arg4[%dma_start3A_250, %dma_start3A_251] : memref<100000x1024xf32, #tpu.memory_space<hbm>> -> memref<100000x1024xf32, #tpu.memory_space<hbm>>
    tpu.enqueue_indirect_dma source(%dma_start3A_252 : memref<100000x1024xf32, #tpu.memory_space<hbm>>) target(%arg7 : memref<16x1024xf32, #tpu.memory_space<vmem>>) offsets(%dma_start3A_249 : memref<16xi32, #tpu.memory_space<vmem>>) semaphore(%arg13 : memref<!tpu.dma_semaphore, #tpu.memory_space<semaphore_mem>>)
    %dma_wait3A_253 = arith.constant 0 : i32
    %dma_wait3A_254 = arith.constant 112 : i32
    %dma_wait3A_255 = tpu.memref_slice %arg6[%dma_wait3A_253, %dma_wait3A_254] : memref<3x128xi32, #tpu.memory_space<vmem>> -> memref<1x16xi32, #tpu.memory_space<vmem>>
    %dma_wait3A_256 = tpu.memref_squeeze %dma_wait3A_255 : memref<1x16xi32, #tpu.memory_space<vmem>> -> memref<16xi32, #tpu.memory_space<vmem>>
    %dma_wait3A_257 = arith.constant 0 : i32
    %dma_wait3A_258 = arith.constant 0 : i32
    %dma_wait3A_259 = tpu.memref_slice %arg3[%dma_wait3A_257, %dma_wait3A_258] : memref<100000x1024xf32, #tpu.memory_space<hbm>> -> memref<100000x1024xf32, #tpu.memory_space<hbm>>
    tpu.wait_indirect_dma semaphore(%arg14 : memref<!tpu.dma_semaphore, #tpu.memory_space<semaphore_mem>>) src(%dma_wait3A_259 : memref<100000x1024xf32, #tpu.memory_space<hbm>>) dst(%arg8 : memref<16x1024xf32, #tpu.memory_space<vmem>>)
    %add3A_260 = arith.constant 112 : i32
    %add3A_261 = arith.addi %mul3A_2, %add3A_260 : i32
    %dma_start3A_262 = arith.constant 0 : i32
    %dma_start3A_263 = arith.constant 0 : i32
    %dma_start3A_264 = tpu.memref_slice %arg5[%dma_start3A_262, %add3A_261, %dma_start3A_263] : memref<3x4096x1024xf32, #tpu.memory_space<hbm>> -> memref<1x16x1024xf32, #tpu.memory_space<hbm>>
    %dma_start3A_265 = tpu.memref_squeeze %dma_start3A_264 : memref<1x16x1024xf32, #tpu.memory_space<hbm>> -> memref<16x1024xf32, #tpu.memory_space<hbm>>
    %dma_start3A_266 = arith.constant 0 : i32
    %dma_start3A_267 = tpu.memref_slice %arg5[%dma_start3A_262, %add3A_261, %dma_start3A_266] : memref<3x4096x1024xf32, #tpu.memory_space<hbm>> -> memref<1x16x1024xf32, #tpu.memory_space<hbm>>
    %dma_start3A_268 = tpu.memref_squeeze %dma_start3A_267 : memref<1x16x1024xf32, #tpu.memory_space<hbm>> -> memref<16x1024xf32, #tpu.memory_space<hbm>>
    tpu.enqueue_dma source(%arg8 : memref<16x1024xf32, #tpu.memory_space<vmem>>) target(%dma_start3A_268 : memref<16x1024xf32, #tpu.memory_space<hbm>>) target_semaphore(%arg20 : memref<!tpu.dma_semaphore, #tpu.memory_space<semaphore_mem>>)
    %dma_wait3A_269 = arith.constant 0 : i32
    %dma_wait3A_270 = arith.constant 0 : i32
    %dma_wait3A_271 = tpu.memref_slice %arg5[%dma_wait3A_269, %add3A_261, %dma_wait3A_270] : memref<3x4096x1024xf32, #tpu.memory_space<hbm>> -> memref<1x16x1024xf32, #tpu.memory_space<hbm>>
    %dma_wait3A_272 = tpu.memref_squeeze %dma_wait3A_271 : memref<1x16x1024xf32, #tpu.memory_space<hbm>> -> memref<16x1024xf32, #tpu.memory_space<hbm>>
    %dma_wait3A_273 = arith.constant 0 : i32
    %dma_wait3A_274 = tpu.memref_slice %arg5[%dma_wait3A_269, %add3A_261, %dma_wait3A_273] : memref<3x4096x1024xf32, #tpu.memory_space<hbm>> -> memref<1x16x1024xf32, #tpu.memory_space<hbm>>
    %dma_wait3A_275 = tpu.memref_squeeze %dma_wait3A_274 : memref<1x16x1024xf32, #tpu.memory_space<hbm>> -> memref<16x1024xf32, #tpu.memory_space<hbm>>
    tpu.wait_dma2 semaphore(%arg20 : memref<!tpu.dma_semaphore, #tpu.memory_space<semaphore_mem>>) src(%arg8 : memref<16x1024xf32, #tpu.memory_space<vmem>>) dst(%dma_wait3A_275 : memref<16x1024xf32, #tpu.memory_space<hbm>>)
    %dma_start3A_276 = arith.constant 1 : i32
    %dma_start3A_277 = arith.constant 80 : i32
    %dma_start3A_278 = tpu.memref_slice %arg6[%dma_start3A_276, %dma_start3A_277] : memref<3x128xi32, #tpu.memory_space<vmem>> -> memref<1x16xi32, #tpu.memory_space<vmem>>
    %dma_start3A_279 = tpu.memref_squeeze %dma_start3A_278 : memref<1x16xi32, #tpu.memory_space<vmem>> -> memref<16xi32, #tpu.memory_space<vmem>>
    %dma_start3A_280 = arith.constant 0 : i32
    %dma_start3A_281 = arith.constant 0 : i32
    %dma_start3A_282 = tpu.memref_slice %arg4[%dma_start3A_280, %dma_start3A_281] : memref<100000x1024xf32, #tpu.memory_space<hbm>> -> memref<100000x1024xf32, #tpu.memory_space<hbm>>
    tpu.enqueue_indirect_dma source(%dma_start3A_282 : memref<100000x1024xf32, #tpu.memory_space<hbm>>) target(%arg8 : memref<16x1024xf32, #tpu.memory_space<vmem>>) offsets(%dma_start3A_279 : memref<16xi32, #tpu.memory_space<vmem>>) semaphore(%arg14 : memref<!tpu.dma_semaphore, #tpu.memory_space<semaphore_mem>>)
    %dma_wait3A_283 = arith.constant 1 : i32
    %dma_wait3A_284 = arith.constant 0 : i32
    %dma_wait3A_285 = tpu.memref_slice %arg6[%dma_wait3A_283, %dma_wait3A_284] : memref<3x128xi32, #tpu.memory_space<vmem>> -> memref<1x16xi32, #tpu.memory_space<vmem>>
    %dma_wait3A_286 = tpu.memref_squeeze %dma_wait3A_285 : memref<1x16xi32, #tpu.memory_space<vmem>> -> memref<16xi32, #tpu.memory_space<vmem>>
    %dma_wait3A_287 = arith.constant 0 : i32
    %dma_wait3A_288 = arith.constant 0 : i32
    %dma_wait3A_289 = tpu.memref_slice %arg4[%dma_wait3A_287, %dma_wait3A_288] : memref<100000x1024xf32, #tpu.memory_space<hbm>> -> memref<100000x1024xf32, #tpu.memory_space<hbm>>
    tpu.wait_indirect_dma semaphore(%arg15 : memref<!tpu.dma_semaphore, #tpu.memory_space<semaphore_mem>>) src(%dma_wait3A_289 : memref<100000x1024xf32, #tpu.memory_space<hbm>>) dst(%arg9 : memref<16x1024xf32, #tpu.memory_space<vmem>>)
    %add3A_290 = arith.constant 0 : i32
    %add3A_291 = arith.addi %mul3A_2, %add3A_290 : i32
    %dma_start3A_292 = arith.constant 1 : i32
    %dma_start3A_293 = arith.constant 0 : i32
    %dma_start3A_294 = tpu.memref_slice %arg5[%dma_start3A_292, %add3A_291, %dma_start3A_293] : memref<3x4096x1024xf32, #tpu.memory_space<hbm>> -> memref<1x16x1024xf32, #tpu.memory_space<hbm>>
    %dma_start3A_295 = tpu.memref_squeeze %dma_start3A_294 : memref<1x16x1024xf32, #tpu.memory_space<hbm>> -> memref<16x1024xf32, #tpu.memory_space<hbm>>
    %dma_start3A_296 = arith.constant 0 : i32
    %dma_start3A_297 = tpu.memref_slice %arg5[%dma_start3A_292, %add3A_291, %dma_start3A_296] : memref<3x4096x1024xf32, #tpu.memory_space<hbm>> -> memref<1x16x1024xf32, #tpu.memory_space<hbm>>
    %dma_start3A_298 = tpu.memref_squeeze %dma_start3A_297 : memref<1x16x1024xf32, #tpu.memory_space<hbm>> -> memref<16x1024xf32, #tpu.memory_space<hbm>>
    tpu.enqueue_dma source(%arg9 : memref<16x1024xf32, #tpu.memory_space<vmem>>) target(%dma_start3A_298 : memref<16x1024xf32, #tpu.memory_space<hbm>>) target_semaphore(%arg21 : memref<!tpu.dma_semaphore, #tpu.memory_space<semaphore_mem>>)
    %dma_wait3A_299 = arith.constant 1 : i32
    %dma_wait3A_300 = arith.constant 0 : i32
    %dma_wait3A_301 = tpu.memref_slice %arg5[%dma_wait3A_299, %add3A_291, %dma_wait3A_300] : memref<3x4096x1024xf32, #tpu.memory_space<hbm>> -> memref<1x16x1024xf32, #tpu.memory_space<hbm>>
    %dma_wait3A_302 = tpu.memref_squeeze %dma_wait3A_301 : memref<1x16x1024xf32, #tpu.memory_space<hbm>> -> memref<16x1024xf32, #tpu.memory_space<hbm>>
    %dma_wait3A_303 = arith.constant 0 : i32
    %dma_wait3A_304 = tpu.memref_slice %arg5[%dma_wait3A_299, %add3A_291, %dma_wait3A_303] : memref<3x4096x1024xf32, #tpu.memory_space<hbm>> -> memref<1x16x1024xf32, #tpu.memory_space<hbm>>
    %dma_wait3A_305 = tpu.memref_squeeze %dma_wait3A_304 : memref<1x16x1024xf32, #tpu.memory_space<hbm>> -> memref<16x1024xf32, #tpu.memory_space<hbm>>
    tpu.wait_dma2 semaphore(%arg21 : memref<!tpu.dma_semaphore, #tpu.memory_space<semaphore_mem>>) src(%arg9 : memref<16x1024xf32, #tpu.memory_space<vmem>>) dst(%dma_wait3A_305 : memref<16x1024xf32, #tpu.memory_space<hbm>>)
    %dma_start3A_306 = arith.constant 1 : i32
    %dma_start3A_307 = arith.constant 96 : i32
    %dma_start3A_308 = tpu.memref_slice %arg6[%dma_start3A_306, %dma_start3A_307] : memref<3x128xi32, #tpu.memory_space<vmem>> -> memref<1x16xi32, #tpu.memory_space<vmem>>
    %dma_start3A_309 = tpu.memref_squeeze %dma_start3A_308 : memref<1x16xi32, #tpu.memory_space<vmem>> -> memref<16xi32, #tpu.memory_space<vmem>>
    %dma_start3A_310 = arith.constant 0 : i32
    %dma_start3A_311 = arith.constant 0 : i32
    %dma_start3A_312 = tpu.memref_slice %arg4[%dma_start3A_310, %dma_start3A_311] : memref<100000x1024xf32, #tpu.memory_space<hbm>> -> memref<100000x1024xf32, #tpu.memory_space<hbm>>
    tpu.enqueue_indirect_dma source(%dma_start3A_312 : memref<100000x1024xf32, #tpu.memory_space<hbm>>) target(%arg9 : memref<16x1024xf32, #tpu.memory_space<vmem>>) offsets(%dma_start3A_309 : memref<16xi32, #tpu.memory_space<vmem>>) semaphore(%arg15 : memref<!tpu.dma_semaphore, #tpu.memory_space<semaphore_mem>>)
    %dma_wait3A_313 = arith.constant 1 : i32
    %dma_wait3A_314 = arith.constant 16 : i32
    %dma_wait3A_315 = tpu.memref_slice %arg6[%dma_wait3A_313, %dma_wait3A_314] : memref<3x128xi32, #tpu.memory_space<vmem>> -> memref<1x16xi32, #tpu.memory_space<vmem>>
    %dma_wait3A_316 = tpu.memref_squeeze %dma_wait3A_315 : memref<1x16xi32, #tpu.memory_space<vmem>> -> memref<16xi32, #tpu.memory_space<vmem>>
    %dma_wait3A_317 = arith.constant 0 : i32
    %dma_wait3A_318 = arith.constant 0 : i32
    %dma_wait3A_319 = tpu.memref_slice %arg4[%dma_wait3A_317, %dma_wait3A_318] : memref<100000x1024xf32, #tpu.memory_space<hbm>> -> memref<100000x1024xf32, #tpu.memory_space<hbm>>
    tpu.wait_indirect_dma semaphore(%arg16 : memref<!tpu.dma_semaphore, #tpu.memory_space<semaphore_mem>>) src(%dma_wait3A_319 : memref<100000x1024xf32, #tpu.memory_space<hbm>>) dst(%arg10 : memref<16x1024xf32, #tpu.memory_space<vmem>>)
    %add3A_320 = arith.constant 16 : i32
    %add3A_321 = arith.addi %mul3A_2, %add3A_320 : i32
    %dma_start3A_322 = arith.constant 1 : i32
    %dma_start3A_323 = arith.constant 0 : i32
    %dma_start3A_324 = tpu.memref_slice %arg5[%dma_start3A_322, %add3A_321, %dma_start3A_323] : memref<3x4096x1024xf32, #tpu.memory_space<hbm>> -> memref<1x16x1024xf32, #tpu.memory_space<hbm>>
    %dma_start3A_325 = tpu.memref_squeeze %dma_start3A_324 : memref<1x16x1024xf32, #tpu.memory_space<hbm>> -> memref<16x1024xf32, #tpu.memory_space<hbm>>
    %dma_start3A_326 = arith.constant 0 : i32
    %dma_start3A_327 = tpu.memref_slice %arg5[%dma_start3A_322, %add3A_321, %dma_start3A_326] : memref<3x4096x1024xf32, #tpu.memory_space<hbm>> -> memref<1x16x1024xf32, #tpu.memory_space<hbm>>
    %dma_start3A_328 = tpu.memref_squeeze %dma_start3A_327 : memref<1x16x1024xf32, #tpu.memory_space<hbm>> -> memref<16x1024xf32, #tpu.memory_space<hbm>>
    tpu.enqueue_dma source(%arg10 : memref<16x1024xf32, #tpu.memory_space<vmem>>) target(%dma_start3A_328 : memref<16x1024xf32, #tpu.memory_space<hbm>>) target_semaphore(%arg22 : memref<!tpu.dma_semaphore, #tpu.memory_space<semaphore_mem>>)
    %dma_wait3A_329 = arith.constant 1 : i32
    %dma_wait3A_330 = arith.constant 0 : i32
    %dma_wait3A_331 = tpu.memref_slice %arg5[%dma_wait3A_329, %add3A_321, %dma_wait3A_330] : memref<3x4096x1024xf32, #tpu.memory_space<hbm>> -> memref<1x16x1024xf32, #tpu.memory_space<hbm>>
    %dma_wait3A_332 = tpu.memref_squeeze %dma_wait3A_331 : memref<1x16x1024xf32, #tpu.memory_space<hbm>> -> memref<16x1024xf32, #tpu.memory_space<hbm>>
    %dma_wait3A_333 = arith.constant 0 : i32
    %dma_wait3A_334 = tpu.memref_slice %arg5[%dma_wait3A_329, %add3A_321, %dma_wait3A_333] : memref<3x4096x1024xf32, #tpu.memory_space<hbm>> -> memref<1x16x1024xf32, #tpu.memory_space<hbm>>
    %dma_wait3A_335 = tpu.memref_squeeze %dma_wait3A_334 : memref<1x16x1024xf32, #tpu.memory_space<hbm>> -> memref<16x1024xf32, #tpu.memory_space<hbm>>
    tpu.wait_dma2 semaphore(%arg22 : memref<!tpu.dma_semaphore, #tpu.memory_space<semaphore_mem>>) src(%arg10 : memref<16x1024xf32, #tpu.memory_space<vmem>>) dst(%dma_wait3A_335 : memref<16x1024xf32, #tpu.memory_space<hbm>>)
    %dma_start3A_336 = arith.constant 1 : i32
    %dma_start3A_337 = arith.constant 112 : i32
    %dma_start3A_338 = tpu.memref_slice %arg6[%dma_start3A_336, %dma_start3A_337] : memref<3x128xi32, #tpu.memory_space<vmem>> -> memref<1x16xi32, #tpu.memory_space<vmem>>
    %dma_start3A_339 = tpu.memref_squeeze %dma_start3A_338 : memref<1x16xi32, #tpu.memory_space<vmem>> -> memref<16xi32, #tpu.memory_space<vmem>>
    %dma_start3A_340 = arith.constant 0 : i32
    %dma_start3A_341 = arith.constant 0 : i32
    %dma_start3A_342 = tpu.memref_slice %arg4[%dma_start3A_340, %dma_start3A_341] : memref<100000x1024xf32, #tpu.memory_space<hbm>> -> memref<100000x1024xf32, #tpu.memory_space<hbm>>
    tpu.enqueue_indirect_dma source(%dma_start3A_342 : memref<100000x1024xf32, #tpu.memory_space<hbm>>) target(%arg10 : memref<16x1024xf32, #tpu.memory_space<vmem>>) offsets(%dma_start3A_339 : memref<16xi32, #tpu.memory_space<vmem>>) semaphore(%arg16 : memref<!tpu.dma_semaphore, #tpu.memory_space<semaphore_mem>>)
    %dma_wait3A_343 = arith.constant 1 : i32
    %dma_wait3A_344 = arith.constant 32 : i32
    %dma_wait3A_345 = tpu.memref_slice %arg6[%dma_wait3A_343, %dma_wait3A_344] : memref<3x128xi32, #tpu.memory_space<vmem>> -> memref<1x16xi32, #tpu.memory_space<vmem>>
    %dma_wait3A_346 = tpu.memref_squeeze %dma_wait3A_345 : memref<1x16xi32, #tpu.memory_space<vmem>> -> memref<16xi32, #tpu.memory_space<vmem>>
    %dma_wait3A_347 = arith.constant 0 : i32
    %dma_wait3A_348 = arith.constant 0 : i32
    %dma_wait3A_349 = tpu.memref_slice %arg4[%dma_wait3A_347, %dma_wait3A_348] : memref<100000x1024xf32, #tpu.memory_space<hbm>> -> memref<100000x1024xf32, #tpu.memory_space<hbm>>
    tpu.wait_indirect_dma semaphore(%arg17 : memref<!tpu.dma_semaphore, #tpu.memory_space<semaphore_mem>>) src(%dma_wait3A_349 : memref<100000x1024xf32, #tpu.memory_space<hbm>>) dst(%arg11 : memref<16x1024xf32, #tpu.memory_space<vmem>>)
    %add3A_350 = arith.constant 32 : i32
    %add3A_351 = arith.addi %mul3A_2, %add3A_350 : i32
    %dma_start3A_352 = arith.constant 1 : i32
    %dma_start3A_353 = arith.constant 0 : i32
    %dma_start3A_354 = tpu.memref_slice %arg5[%dma_start3A_352, %add3A_351, %dma_start3A_353] : memref<3x4096x1024xf32, #tpu.memory_space<hbm>> -> memref<1x16x1024xf32, #tpu.memory_space<hbm>>
    %dma_start3A_355 = tpu.memref_squeeze %dma_start3A_354 : memref<1x16x1024xf32, #tpu.memory_space<hbm>> -> memref<16x1024xf32, #tpu.memory_space<hbm>>
    %dma_start3A_356 = arith.constant 0 : i32
    %dma_start3A_357 = tpu.memref_slice %arg5[%dma_start3A_352, %add3A_351, %dma_start3A_356] : memref<3x4096x1024xf32, #tpu.memory_space<hbm>> -> memref<1x16x1024xf32, #tpu.memory_space<hbm>>
    %dma_start3A_358 = tpu.memref_squeeze %dma_start3A_357 : memref<1x16x1024xf32, #tpu.memory_space<hbm>> -> memref<16x1024xf32, #tpu.memory_space<hbm>>
    tpu.enqueue_dma source(%arg11 : memref<16x1024xf32, #tpu.memory_space<vmem>>) target(%dma_start3A_358 : memref<16x1024xf32, #tpu.memory_space<hbm>>) target_semaphore(%arg23 : memref<!tpu.dma_semaphore, #tpu.memory_space<semaphore_mem>>)
    %dma_wait3A_359 = arith.constant 1 : i32
    %dma_wait3A_360 = arith.constant 0 : i32
    %dma_wait3A_361 = tpu.memref_slice %arg5[%dma_wait3A_359, %add3A_351, %dma_wait3A_360] : memref<3x4096x1024xf32, #tpu.memory_space<hbm>> -> memref<1x16x1024xf32, #tpu.memory_space<hbm>>
    %dma_wait3A_362 = tpu.memref_squeeze %dma_wait3A_361 : memref<1x16x1024xf32, #tpu.memory_space<hbm>> -> memref<16x1024xf32, #tpu.memory_space<hbm>>
    %dma_wait3A_363 = arith.constant 0 : i32
    %dma_wait3A_364 = tpu.memref_slice %arg5[%dma_wait3A_359, %add3A_351, %dma_wait3A_363] : memref<3x4096x1024xf32, #tpu.memory_space<hbm>> -> memref<1x16x1024xf32, #tpu.memory_space<hbm>>
    %dma_wait3A_365 = tpu.memref_squeeze %dma_wait3A_364 : memref<1x16x1024xf32, #tpu.memory_space<hbm>> -> memref<16x1024xf32, #tpu.memory_space<hbm>>
    tpu.wait_dma2 semaphore(%arg23 : memref<!tpu.dma_semaphore, #tpu.memory_space<semaphore_mem>>) src(%arg11 : memref<16x1024xf32, #tpu.memory_space<vmem>>) dst(%dma_wait3A_365 : memref<16x1024xf32, #tpu.memory_space<hbm>>)
    %dma_start3A_366 = arith.constant 2 : i32
    %dma_start3A_367 = arith.constant 0 : i32
    %dma_start3A_368 = tpu.memref_slice %arg6[%dma_start3A_366, %dma_start3A_367] : memref<3x128xi32, #tpu.memory_space<vmem>> -> memref<1x16xi32, #tpu.memory_space<vmem>>
    %dma_start3A_369 = tpu.memref_squeeze %dma_start3A_368 : memref<1x16xi32, #tpu.memory_space<vmem>> -> memref<16xi32, #tpu.memory_space<vmem>>
    %dma_start3A_370 = arith.constant 0 : i32
    %dma_start3A_371 = arith.constant 0 : i32
    %dma_start3A_372 = tpu.memref_slice %arg3[%dma_start3A_370, %dma_start3A_371] : memref<100000x1024xf32, #tpu.memory_space<hbm>> -> memref<100000x1024xf32, #tpu.memory_space<hbm>>
    tpu.enqueue_indirect_dma source(%dma_start3A_372 : memref<100000x1024xf32, #tpu.memory_space<hbm>>) target(%arg11 : memref<16x1024xf32, #tpu.memory_space<vmem>>) offsets(%dma_start3A_369 : memref<16xi32, #tpu.memory_space<vmem>>) semaphore(%arg17 : memref<!tpu.dma_semaphore, #tpu.memory_space<semaphore_mem>>)
    %dma_wait3A_373 = arith.constant 1 : i32
    %dma_wait3A_374 = arith.constant 48 : i32
    %dma_wait3A_375 = tpu.memref_slice %arg6[%dma_wait3A_373, %dma_wait3A_374] : memref<3x128xi32, #tpu.memory_space<vmem>> -> memref<1x16xi32, #tpu.memory_space<vmem>>
    %dma_wait3A_376 = tpu.memref_squeeze %dma_wait3A_375 : memref<1x16xi32, #tpu.memory_space<vmem>> -> memref<16xi32, #tpu.memory_space<vmem>>
    %dma_wait3A_377 = arith.constant 0 : i32
    %dma_wait3A_378 = arith.constant 0 : i32
    %dma_wait3A_379 = tpu.memref_slice %arg4[%dma_wait3A_377, %dma_wait3A_378] : memref<100000x1024xf32, #tpu.memory_space<hbm>> -> memref<100000x1024xf32, #tpu.memory_space<hbm>>
    tpu.wait_indirect_dma semaphore(%arg18 : memref<!tpu.dma_semaphore, #tpu.memory_space<semaphore_mem>>) src(%dma_wait3A_379 : memref<100000x1024xf32, #tpu.memory_space<hbm>>) dst(%arg12 : memref<16x1024xf32, #tpu.memory_space<vmem>>)
    %add3A_380 = arith.constant 48 : i32
    %add3A_381 = arith.addi %mul3A_2, %add3A_380 : i32
    %dma_start3A_382 = arith.constant 1 : i32
    %dma_start3A_383 = arith.constant 0 : i32
    %dma_start3A_384 = tpu.memref_slice %arg5[%dma_start3A_382, %add3A_381, %dma_start3A_383] : memref<3x4096x1024xf32, #tpu.memory_space<hbm>> -> memref<1x16x1024xf32, #tpu.memory_space<hbm>>
    %dma_start3A_385 = tpu.memref_squeeze %dma_start3A_384 : memref<1x16x1024xf32, #tpu.memory_space<hbm>> -> memref<16x1024xf32, #tpu.memory_space<hbm>>
    %dma_start3A_386 = arith.constant 0 : i32
    %dma_start3A_387 = tpu.memref_slice %arg5[%dma_start3A_382, %add3A_381, %dma_start3A_386] : memref<3x4096x1024xf32, #tpu.memory_space<hbm>> -> memref<1x16x1024xf32, #tpu.memory_space<hbm>>
    %dma_start3A_388 = tpu.memref_squeeze %dma_start3A_387 : memref<1x16x1024xf32, #tpu.memory_space<hbm>> -> memref<16x1024xf32, #tpu.memory_space<hbm>>
    tpu.enqueue_dma source(%arg12 : memref<16x1024xf32, #tpu.memory_space<vmem>>) target(%dma_start3A_388 : memref<16x1024xf32, #tpu.memory_space<hbm>>) target_semaphore(%arg24 : memref<!tpu.dma_semaphore, #tpu.memory_space<semaphore_mem>>)
    %dma_wait3A_389 = arith.constant 1 : i32
    %dma_wait3A_390 = arith.constant 0 : i32
    %dma_wait3A_391 = tpu.memref_slice %arg5[%dma_wait3A_389, %add3A_381, %dma_wait3A_390] : memref<3x4096x1024xf32, #tpu.memory_space<hbm>> -> memref<1x16x1024xf32, #tpu.memory_space<hbm>>
    %dma_wait3A_392 = tpu.memref_squeeze %dma_wait3A_391 : memref<1x16x1024xf32, #tpu.memory_space<hbm>> -> memref<16x1024xf32, #tpu.memory_space<hbm>>
    %dma_wait3A_393 = arith.constant 0 : i32
    %dma_wait3A_394 = tpu.memref_slice %arg5[%dma_wait3A_389, %add3A_381, %dma_wait3A_393] : memref<3x4096x1024xf32, #tpu.memory_space<hbm>> -> memref<1x16x1024xf32, #tpu.memory_space<hbm>>
    %dma_wait3A_395 = tpu.memref_squeeze %dma_wait3A_394 : memref<1x16x1024xf32, #tpu.memory_space<hbm>> -> memref<16x1024xf32, #tpu.memory_space<hbm>>
    tpu.wait_dma2 semaphore(%arg24 : memref<!tpu.dma_semaphore, #tpu.memory_space<semaphore_mem>>) src(%arg12 : memref<16x1024xf32, #tpu.memory_space<vmem>>) dst(%dma_wait3A_395 : memref<16x1024xf32, #tpu.memory_space<hbm>>)
    %dma_start3A_396 = arith.constant 2 : i32
    %dma_start3A_397 = arith.constant 16 : i32
    %dma_start3A_398 = tpu.memref_slice %arg6[%dma_start3A_396, %dma_start3A_397] : memref<3x128xi32, #tpu.memory_space<vmem>> -> memref<1x16xi32, #tpu.memory_space<vmem>>
    %dma_start3A_399 = tpu.memref_squeeze %dma_start3A_398 : memref<1x16xi32, #tpu.memory_space<vmem>> -> memref<16xi32, #tpu.memory_space<vmem>>
    %dma_start3A_400 = arith.constant 0 : i32
    %dma_start3A_401 = arith.constant 0 : i32
    %dma_start3A_402 = tpu.memref_slice %arg3[%dma_start3A_400, %dma_start3A_401] : memref<100000x1024xf32, #tpu.memory_space<hbm>> -> memref<100000x1024xf32, #tpu.memory_space<hbm>>
    tpu.enqueue_indirect_dma source(%dma_start3A_402 : memref<100000x1024xf32, #tpu.memory_space<hbm>>) target(%arg12 : memref<16x1024xf32, #tpu.memory_space<vmem>>) offsets(%dma_start3A_399 : memref<16xi32, #tpu.memory_space<vmem>>) semaphore(%arg18 : memref<!tpu.dma_semaphore, #tpu.memory_space<semaphore_mem>>)
    %dma_wait3A_403 = arith.constant 1 : i32
    %dma_wait3A_404 = arith.constant 64 : i32
    %dma_wait3A_405 = tpu.memref_slice %arg6[%dma_wait3A_403, %dma_wait3A_404] : memref<3x128xi32, #tpu.memory_space<vmem>> -> memref<1x16xi32, #tpu.memory_space<vmem>>
    %dma_wait3A_406 = tpu.memref_squeeze %dma_wait3A_405 : memref<1x16xi32, #tpu.memory_space<vmem>> -> memref<16xi32, #tpu.memory_space<vmem>>
    %dma_wait3A_407 = arith.constant 0 : i32
    %dma_wait3A_408 = arith.constant 0 : i32
    %dma_wait3A_409 = tpu.memref_slice %arg4[%dma_wait3A_407, %dma_wait3A_408] : memref<100000x1024xf32, #tpu.memory_space<hbm>> -> memref<100000x1024xf32, #tpu.memory_space<hbm>>
    tpu.wait_indirect_dma semaphore(%arg13 : memref<!tpu.dma_semaphore, #tpu.memory_space<semaphore_mem>>) src(%dma_wait3A_409 : memref<100000x1024xf32, #tpu.memory_space<hbm>>) dst(%arg7 : memref<16x1024xf32, #tpu.memory_space<vmem>>)
    %add3A_410 = arith.constant 64 : i32
    %add3A_411 = arith.addi %mul3A_2, %add3A_410 : i32
    %dma_start3A_412 = arith.constant 1 : i32
    %dma_start3A_413 = arith.constant 0 : i32
    %dma_start3A_414 = tpu.memref_slice %arg5[%dma_start3A_412, %add3A_411, %dma_start3A_413] : memref<3x4096x1024xf32, #tpu.memory_space<hbm>> -> memref<1x16x1024xf32, #tpu.memory_space<hbm>>
    %dma_start3A_415 = tpu.memref_squeeze %dma_start3A_414 : memref<1x16x1024xf32, #tpu.memory_space<hbm>> -> memref<16x1024xf32, #tpu.memory_space<hbm>>
    %dma_start3A_416 = arith.constant 0 : i32
    %dma_start3A_417 = tpu.memref_slice %arg5[%dma_start3A_412, %add3A_411, %dma_start3A_416] : memref<3x4096x1024xf32, #tpu.memory_space<hbm>> -> memref<1x16x1024xf32, #tpu.memory_space<hbm>>
    %dma_start3A_418 = tpu.memref_squeeze %dma_start3A_417 : memref<1x16x1024xf32, #tpu.memory_space<hbm>> -> memref<16x1024xf32, #tpu.memory_space<hbm>>
    tpu.enqueue_dma source(%arg7 : memref<16x1024xf32, #tpu.memory_space<vmem>>) target(%dma_start3A_418 : memref<16x1024xf32, #tpu.memory_space<hbm>>) target_semaphore(%arg19 : memref<!tpu.dma_semaphore, #tpu.memory_space<semaphore_mem>>)
    %dma_wait3A_419 = arith.constant 1 : i32
    %dma_wait3A_420 = arith.constant 0 : i32
    %dma_wait3A_421 = tpu.memref_slice %arg5[%dma_wait3A_419, %add3A_411, %dma_wait3A_420] : memref<3x4096x1024xf32, #tpu.memory_space<hbm>> -> memref<1x16x1024xf32, #tpu.memory_space<hbm>>
    %dma_wait3A_422 = tpu.memref_squeeze %dma_wait3A_421 : memref<1x16x1024xf32, #tpu.memory_space<hbm>> -> memref<16x1024xf32, #tpu.memory_space<hbm>>
    %dma_wait3A_423 = arith.constant 0 : i32
    %dma_wait3A_424 = tpu.memref_slice %arg5[%dma_wait3A_419, %add3A_411, %dma_wait3A_423] : memref<3x4096x1024xf32, #tpu.memory_space<hbm>> -> memref<1x16x1024xf32, #tpu.memory_space<hbm>>
    %dma_wait3A_425 = tpu.memref_squeeze %dma_wait3A_424 : memref<1x16x1024xf32, #tpu.memory_space<hbm>> -> memref<16x1024xf32, #tpu.memory_space<hbm>>
    tpu.wait_dma2 semaphore(%arg19 : memref<!tpu.dma_semaphore, #tpu.memory_space<semaphore_mem>>) src(%arg7 : memref<16x1024xf32, #tpu.memory_space<vmem>>) dst(%dma_wait3A_425 : memref<16x1024xf32, #tpu.memory_space<hbm>>)
    %dma_start3A_426 = arith.constant 2 : i32
    %dma_start3A_427 = arith.constant 32 : i32
    %dma_start3A_428 = tpu.memref_slice %arg6[%dma_start3A_426, %dma_start3A_427] : memref<3x128xi32, #tpu.memory_space<vmem>> -> memref<1x16xi32, #tpu.memory_space<vmem>>
    %dma_start3A_429 = tpu.memref_squeeze %dma_start3A_428 : memref<1x16xi32, #tpu.memory_space<vmem>> -> memref<16xi32, #tpu.memory_space<vmem>>
    %dma_start3A_430 = arith.constant 0 : i32
    %dma_start3A_431 = arith.constant 0 : i32
    %dma_start3A_432 = tpu.memref_slice %arg3[%dma_start3A_430, %dma_start3A_431] : memref<100000x1024xf32, #tpu.memory_space<hbm>> -> memref<100000x1024xf32, #tpu.memory_space<hbm>>
    tpu.enqueue_indirect_dma source(%dma_start3A_432 : memref<100000x1024xf32, #tpu.memory_space<hbm>>) target(%arg7 : memref<16x1024xf32, #tpu.memory_space<vmem>>) offsets(%dma_start3A_429 : memref<16xi32, #tpu.memory_space<vmem>>) semaphore(%arg13 : memref<!tpu.dma_semaphore, #tpu.memory_space<semaphore_mem>>)
    %dma_wait3A_433 = arith.constant 1 : i32
    %dma_wait3A_434 = arith.constant 80 : i32
    %dma_wait3A_435 = tpu.memref_slice %arg6[%dma_wait3A_433, %dma_wait3A_434] : memref<3x128xi32, #tpu.memory_space<vmem>> -> memref<1x16xi32, #tpu.memory_space<vmem>>
    %dma_wait3A_436 = tpu.memref_squeeze %dma_wait3A_435 : memref<1x16xi32, #tpu.memory_space<vmem>> -> memref<16xi32, #tpu.memory_space<vmem>>
    %dma_wait3A_437 = arith.constant 0 : i32
    %dma_wait3A_438 = arith.constant 0 : i32
    %dma_wait3A_439 = tpu.memref_slice %arg4[%dma_wait3A_437, %dma_wait3A_438] : memref<100000x1024xf32, #tpu.memory_space<hbm>> -> memref<100000x1024xf32, #tpu.memory_space<hbm>>
    tpu.wait_indirect_dma semaphore(%arg14 : memref<!tpu.dma_semaphore, #tpu.memory_space<semaphore_mem>>) src(%dma_wait3A_439 : memref<100000x1024xf32, #tpu.memory_space<hbm>>) dst(%arg8 : memref<16x1024xf32, #tpu.memory_space<vmem>>)
    %add3A_440 = arith.constant 80 : i32
    %add3A_441 = arith.addi %mul3A_2, %add3A_440 : i32
    %dma_start3A_442 = arith.constant 1 : i32
    %dma_start3A_443 = arith.constant 0 : i32
    %dma_start3A_444 = tpu.memref_slice %arg5[%dma_start3A_442, %add3A_441, %dma_start3A_443] : memref<3x4096x1024xf32, #tpu.memory_space<hbm>> -> memref<1x16x1024xf32, #tpu.memory_space<hbm>>
    %dma_start3A_445 = tpu.memref_squeeze %dma_start3A_444 : memref<1x16x1024xf32, #tpu.memory_space<hbm>> -> memref<16x1024xf32, #tpu.memory_space<hbm>>
    %dma_start3A_446 = arith.constant 0 : i32
    %dma_start3A_447 = tpu.memref_slice %arg5[%dma_start3A_442, %add3A_441, %dma_start3A_446] : memref<3x4096x1024xf32, #tpu.memory_space<hbm>> -> memref<1x16x1024xf32, #tpu.memory_space<hbm>>
    %dma_start3A_448 = tpu.memref_squeeze %dma_start3A_447 : memref<1x16x1024xf32, #tpu.memory_space<hbm>> -> memref<16x1024xf32, #tpu.memory_space<hbm>>
    tpu.enqueue_dma source(%arg8 : memref<16x1024xf32, #tpu.memory_space<vmem>>) target(%dma_start3A_448 : memref<16x1024xf32, #tpu.memory_space<hbm>>) target_semaphore(%arg20 : memref<!tpu.dma_semaphore, #tpu.memory_space<semaphore_mem>>)
    %dma_wait3A_449 = arith.constant 1 : i32
    %dma_wait3A_450 = arith.constant 0 : i32
    %dma_wait3A_451 = tpu.memref_slice %arg5[%dma_wait3A_449, %add3A_441, %dma_wait3A_450] : memref<3x4096x1024xf32, #tpu.memory_space<hbm>> -> memref<1x16x1024xf32, #tpu.memory_space<hbm>>
    %dma_wait3A_452 = tpu.memref_squeeze %dma_wait3A_451 : memref<1x16x1024xf32, #tpu.memory_space<hbm>> -> memref<16x1024xf32, #tpu.memory_space<hbm>>
    %dma_wait3A_453 = arith.constant 0 : i32
    %dma_wait3A_454 = tpu.memref_slice %arg5[%dma_wait3A_449, %add3A_441, %dma_wait3A_453] : memref<3x4096x1024xf32, #tpu.memory_space<hbm>> -> memref<1x16x1024xf32, #tpu.memory_space<hbm>>
    %dma_wait3A_455 = tpu.memref_squeeze %dma_wait3A_454 : memref<1x16x1024xf32, #tpu.memory_space<hbm>> -> memref<16x1024xf32, #tpu.memory_space<hbm>>
    tpu.wait_dma2 semaphore(%arg20 : memref<!tpu.dma_semaphore, #tpu.memory_space<semaphore_mem>>) src(%arg8 : memref<16x1024xf32, #tpu.memory_space<vmem>>) dst(%dma_wait3A_455 : memref<16x1024xf32, #tpu.memory_space<hbm>>)
    %dma_start3A_456 = arith.constant 2 : i32
    %dma_start3A_457 = arith.constant 48 : i32
    %dma_start3A_458 = tpu.memref_slice %arg6[%dma_start3A_456, %dma_start3A_457] : memref<3x128xi32, #tpu.memory_space<vmem>> -> memref<1x16xi32, #tpu.memory_space<vmem>>
    %dma_start3A_459 = tpu.memref_squeeze %dma_start3A_458 : memref<1x16xi32, #tpu.memory_space<vmem>> -> memref<16xi32, #tpu.memory_space<vmem>>
    %dma_start3A_460 = arith.constant 0 : i32
    %dma_start3A_461 = arith.constant 0 : i32
    %dma_start3A_462 = tpu.memref_slice %arg3[%dma_start3A_460, %dma_start3A_461] : memref<100000x1024xf32, #tpu.memory_space<hbm>> -> memref<100000x1024xf32, #tpu.memory_space<hbm>>
    tpu.enqueue_indirect_dma source(%dma_start3A_462 : memref<100000x1024xf32, #tpu.memory_space<hbm>>) target(%arg8 : memref<16x1024xf32, #tpu.memory_space<vmem>>) offsets(%dma_start3A_459 : memref<16xi32, #tpu.memory_space<vmem>>) semaphore(%arg14 : memref<!tpu.dma_semaphore, #tpu.memory_space<semaphore_mem>>)
    %dma_wait3A_463 = arith.constant 1 : i32
    %dma_wait3A_464 = arith.constant 96 : i32
    %dma_wait3A_465 = tpu.memref_slice %arg6[%dma_wait3A_463, %dma_wait3A_464] : memref<3x128xi32, #tpu.memory_space<vmem>> -> memref<1x16xi32, #tpu.memory_space<vmem>>
    %dma_wait3A_466 = tpu.memref_squeeze %dma_wait3A_465 : memref<1x16xi32, #tpu.memory_space<vmem>> -> memref<16xi32, #tpu.memory_space<vmem>>
    %dma_wait3A_467 = arith.constant 0 : i32
    %dma_wait3A_468 = arith.constant 0 : i32
    %dma_wait3A_469 = tpu.memref_slice %arg4[%dma_wait3A_467, %dma_wait3A_468] : memref<100000x1024xf32, #tpu.memory_space<hbm>> -> memref<100000x1024xf32, #tpu.memory_space<hbm>>
    tpu.wait_indirect_dma semaphore(%arg15 : memref<!tpu.dma_semaphore, #tpu.memory_space<semaphore_mem>>) src(%dma_wait3A_469 : memref<100000x1024xf32, #tpu.memory_space<hbm>>) dst(%arg9 : memref<16x1024xf32, #tpu.memory_space<vmem>>)
    %add3A_470 = arith.constant 96 : i32
    %add3A_471 = arith.addi %mul3A_2, %add3A_470 : i32
    %dma_start3A_472 = arith.constant 1 : i32
    %dma_start3A_473 = arith.constant 0 : i32
    %dma_start3A_474 = tpu.memref_slice %arg5[%dma_start3A_472, %add3A_471, %dma_start3A_473] : memref<3x4096x1024xf32, #tpu.memory_space<hbm>> -> memref<1x16x1024xf32, #tpu.memory_space<hbm>>
    %dma_start3A_475 = tpu.memref_squeeze %dma_start3A_474 : memref<1x16x1024xf32, #tpu.memory_space<hbm>> -> memref<16x1024xf32, #tpu.memory_space<hbm>>
    %dma_start3A_476 = arith.constant 0 : i32
    %dma_start3A_477 = tpu.memref_slice %arg5[%dma_start3A_472, %add3A_471, %dma_start3A_476] : memref<3x4096x1024xf32, #tpu.memory_space<hbm>> -> memref<1x16x1024xf32, #tpu.memory_space<hbm>>
    %dma_start3A_478 = tpu.memref_squeeze %dma_start3A_477 : memref<1x16x1024xf32, #tpu.memory_space<hbm>> -> memref<16x1024xf32, #tpu.memory_space<hbm>>
    tpu.enqueue_dma source(%arg9 : memref<16x1024xf32, #tpu.memory_space<vmem>>) target(%dma_start3A_478 : memref<16x1024xf32, #tpu.memory_space<hbm>>) target_semaphore(%arg21 : memref<!tpu.dma_semaphore, #tpu.memory_space<semaphore_mem>>)
    %dma_wait3A_479 = arith.constant 1 : i32
    %dma_wait3A_480 = arith.constant 0 : i32
    %dma_wait3A_481 = tpu.memref_slice %arg5[%dma_wait3A_479, %add3A_471, %dma_wait3A_480] : memref<3x4096x1024xf32, #tpu.memory_space<hbm>> -> memref<1x16x1024xf32, #tpu.memory_space<hbm>>
    %dma_wait3A_482 = tpu.memref_squeeze %dma_wait3A_481 : memref<1x16x1024xf32, #tpu.memory_space<hbm>> -> memref<16x1024xf32, #tpu.memory_space<hbm>>
    %dma_wait3A_483 = arith.constant 0 : i32
    %dma_wait3A_484 = tpu.memref_slice %arg5[%dma_wait3A_479, %add3A_471, %dma_wait3A_483] : memref<3x4096x1024xf32, #tpu.memory_space<hbm>> -> memref<1x16x1024xf32, #tpu.memory_space<hbm>>
    %dma_wait3A_485 = tpu.memref_squeeze %dma_wait3A_484 : memref<1x16x1024xf32, #tpu.memory_space<hbm>> -> memref<16x1024xf32, #tpu.memory_space<hbm>>
    tpu.wait_dma2 semaphore(%arg21 : memref<!tpu.dma_semaphore, #tpu.memory_space<semaphore_mem>>) src(%arg9 : memref<16x1024xf32, #tpu.memory_space<vmem>>) dst(%dma_wait3A_485 : memref<16x1024xf32, #tpu.memory_space<hbm>>)
    %dma_start3A_486 = arith.constant 2 : i32
    %dma_start3A_487 = arith.constant 64 : i32
    %dma_start3A_488 = tpu.memref_slice %arg6[%dma_start3A_486, %dma_start3A_487] : memref<3x128xi32, #tpu.memory_space<vmem>> -> memref<1x16xi32, #tpu.memory_space<vmem>>
    %dma_start3A_489 = tpu.memref_squeeze %dma_start3A_488 : memref<1x16xi32, #tpu.memory_space<vmem>> -> memref<16xi32, #tpu.memory_space<vmem>>
    %dma_start3A_490 = arith.constant 0 : i32
    %dma_start3A_491 = arith.constant 0 : i32
    %dma_start3A_492 = tpu.memref_slice %arg3[%dma_start3A_490, %dma_start3A_491] : memref<100000x1024xf32, #tpu.memory_space<hbm>> -> memref<100000x1024xf32, #tpu.memory_space<hbm>>
    tpu.enqueue_indirect_dma source(%dma_start3A_492 : memref<100000x1024xf32, #tpu.memory_space<hbm>>) target(%arg9 : memref<16x1024xf32, #tpu.memory_space<vmem>>) offsets(%dma_start3A_489 : memref<16xi32, #tpu.memory_space<vmem>>) semaphore(%arg15 : memref<!tpu.dma_semaphore, #tpu.memory_space<semaphore_mem>>)
    %dma_wait3A_493 = arith.constant 1 : i32
    %dma_wait3A_494 = arith.constant 112 : i32
    %dma_wait3A_495 = tpu.memref_slice %arg6[%dma_wait3A_493, %dma_wait3A_494] : memref<3x128xi32, #tpu.memory_space<vmem>> -> memref<1x16xi32, #tpu.memory_space<vmem>>
    %dma_wait3A_496 = tpu.memref_squeeze %dma_wait3A_495 : memref<1x16xi32, #tpu.memory_space<vmem>> -> memref<16xi32, #tpu.memory_space<vmem>>
    %dma_wait3A_497 = arith.constant 0 : i32
    %dma_wait3A_498 = arith.constant 0 : i32
    %dma_wait3A_499 = tpu.memref_slice %arg4[%dma_wait3A_497, %dma_wait3A_498] : memref<100000x1024xf32, #tpu.memory_space<hbm>> -> memref<100000x1024xf32, #tpu.memory_space<hbm>>
    tpu.wait_indirect_dma semaphore(%arg16 : memref<!tpu.dma_semaphore, #tpu.memory_space<semaphore_mem>>) src(%dma_wait3A_499 : memref<100000x1024xf32, #tpu.memory_space<hbm>>) dst(%arg10 : memref<16x1024xf32, #tpu.memory_space<vmem>>)
    %add3A_500 = arith.constant 112 : i32
    %add3A_501 = arith.addi %mul3A_2, %add3A_500 : i32
    %dma_start3A_502 = arith.constant 1 : i32
    %dma_start3A_503 = arith.constant 0 : i32
    %dma_start3A_504 = tpu.memref_slice %arg5[%dma_start3A_502, %add3A_501, %dma_start3A_503] : memref<3x4096x1024xf32, #tpu.memory_space<hbm>> -> memref<1x16x1024xf32, #tpu.memory_space<hbm>>
    %dma_start3A_505 = tpu.memref_squeeze %dma_start3A_504 : memref<1x16x1024xf32, #tpu.memory_space<hbm>> -> memref<16x1024xf32, #tpu.memory_space<hbm>>
    %dma_start3A_506 = arith.constant 0 : i32
    %dma_start3A_507 = tpu.memref_slice %arg5[%dma_start3A_502, %add3A_501, %dma_start3A_506] : memref<3x4096x1024xf32, #tpu.memory_space<hbm>> -> memref<1x16x1024xf32, #tpu.memory_space<hbm>>
    %dma_start3A_508 = tpu.memref_squeeze %dma_start3A_507 : memref<1x16x1024xf32, #tpu.memory_space<hbm>> -> memref<16x1024xf32, #tpu.memory_space<hbm>>
    tpu.enqueue_dma source(%arg10 : memref<16x1024xf32, #tpu.memory_space<vmem>>) target(%dma_start3A_508 : memref<16x1024xf32, #tpu.memory_space<hbm>>) target_semaphore(%arg22 : memref<!tpu.dma_semaphore, #tpu.memory_space<semaphore_mem>>)
    %dma_wait3A_509 = arith.constant 1 : i32
    %dma_wait3A_510 = arith.constant 0 : i32
    %dma_wait3A_511 = tpu.memref_slice %arg5[%dma_wait3A_509, %add3A_501, %dma_wait3A_510] : memref<3x4096x1024xf32, #tpu.memory_space<hbm>> -> memref<1x16x1024xf32, #tpu.memory_space<hbm>>
    %dma_wait3A_512 = tpu.memref_squeeze %dma_wait3A_511 : memref<1x16x1024xf32, #tpu.memory_space<hbm>> -> memref<16x1024xf32, #tpu.memory_space<hbm>>
    %dma_wait3A_513 = arith.constant 0 : i32
    %dma_wait3A_514 = tpu.memref_slice %arg5[%dma_wait3A_509, %add3A_501, %dma_wait3A_513] : memref<3x4096x1024xf32, #tpu.memory_space<hbm>> -> memref<1x16x1024xf32, #tpu.memory_space<hbm>>
    %dma_wait3A_515 = tpu.memref_squeeze %dma_wait3A_514 : memref<1x16x1024xf32, #tpu.memory_space<hbm>> -> memref<16x1024xf32, #tpu.memory_space<hbm>>
    tpu.wait_dma2 semaphore(%arg22 : memref<!tpu.dma_semaphore, #tpu.memory_space<semaphore_mem>>) src(%arg10 : memref<16x1024xf32, #tpu.memory_space<vmem>>) dst(%dma_wait3A_515 : memref<16x1024xf32, #tpu.memory_space<hbm>>)
    %dma_start3A_516 = arith.constant 2 : i32
    %dma_start3A_517 = arith.constant 80 : i32
    %dma_start3A_518 = tpu.memref_slice %arg6[%dma_start3A_516, %dma_start3A_517] : memref<3x128xi32, #tpu.memory_space<vmem>> -> memref<1x16xi32, #tpu.memory_space<vmem>>
    %dma_start3A_519 = tpu.memref_squeeze %dma_start3A_518 : memref<1x16xi32, #tpu.memory_space<vmem>> -> memref<16xi32, #tpu.memory_space<vmem>>
    %dma_start3A_520 = arith.constant 0 : i32
    %dma_start3A_521 = arith.constant 0 : i32
    %dma_start3A_522 = tpu.memref_slice %arg3[%dma_start3A_520, %dma_start3A_521] : memref<100000x1024xf32, #tpu.memory_space<hbm>> -> memref<100000x1024xf32, #tpu.memory_space<hbm>>
    tpu.enqueue_indirect_dma source(%dma_start3A_522 : memref<100000x1024xf32, #tpu.memory_space<hbm>>) target(%arg10 : memref<16x1024xf32, #tpu.memory_space<vmem>>) offsets(%dma_start3A_519 : memref<16xi32, #tpu.memory_space<vmem>>) semaphore(%arg16 : memref<!tpu.dma_semaphore, #tpu.memory_space<semaphore_mem>>)
    %dma_wait3A_523 = arith.constant 2 : i32
    %dma_wait3A_524 = arith.constant 0 : i32
    %dma_wait3A_525 = tpu.memref_slice %arg6[%dma_wait3A_523, %dma_wait3A_524] : memref<3x128xi32, #tpu.memory_space<vmem>> -> memref<1x16xi32, #tpu.memory_space<vmem>>
    %dma_wait3A_526 = tpu.memref_squeeze %dma_wait3A_525 : memref<1x16xi32, #tpu.memory_space<vmem>> -> memref<16xi32, #tpu.memory_space<vmem>>
    %dma_wait3A_527 = arith.constant 0 : i32
    %dma_wait3A_528 = arith.constant 0 : i32
    %dma_wait3A_529 = tpu.memref_slice %arg3[%dma_wait3A_527, %dma_wait3A_528] : memref<100000x1024xf32, #tpu.memory_space<hbm>> -> memref<100000x1024xf32, #tpu.memory_space<hbm>>
    tpu.wait_indirect_dma semaphore(%arg17 : memref<!tpu.dma_semaphore, #tpu.memory_space<semaphore_mem>>) src(%dma_wait3A_529 : memref<100000x1024xf32, #tpu.memory_space<hbm>>) dst(%arg11 : memref<16x1024xf32, #tpu.memory_space<vmem>>)
    %add3A_530 = arith.constant 0 : i32
    %add3A_531 = arith.addi %mul3A_2, %add3A_530 : i32
    %dma_start3A_532 = arith.constant 2 : i32
    %dma_start3A_533 = arith.constant 0 : i32
    %dma_start3A_534 = tpu.memref_slice %arg5[%dma_start3A_532, %add3A_531, %dma_start3A_533] : memref<3x4096x1024xf32, #tpu.memory_space<hbm>> -> memref<1x16x1024xf32, #tpu.memory_space<hbm>>
    %dma_start3A_535 = tpu.memref_squeeze %dma_start3A_534 : memref<1x16x1024xf32, #tpu.memory_space<hbm>> -> memref<16x1024xf32, #tpu.memory_space<hbm>>
    %dma_start3A_536 = arith.constant 0 : i32
    %dma_start3A_537 = tpu.memref_slice %arg5[%dma_start3A_532, %add3A_531, %dma_start3A_536] : memref<3x4096x1024xf32, #tpu.memory_space<hbm>> -> memref<1x16x1024xf32, #tpu.memory_space<hbm>>
    %dma_start3A_538 = tpu.memref_squeeze %dma_start3A_537 : memref<1x16x1024xf32, #tpu.memory_space<hbm>> -> memref<16x1024xf32, #tpu.memory_space<hbm>>
    tpu.enqueue_dma source(%arg11 : memref<16x1024xf32, #tpu.memory_space<vmem>>) target(%dma_start3A_538 : memref<16x1024xf32, #tpu.memory_space<hbm>>) target_semaphore(%arg23 : memref<!tpu.dma_semaphore, #tpu.memory_space<semaphore_mem>>)
    %dma_wait3A_539 = arith.constant 2 : i32
    %dma_wait3A_540 = arith.constant 0 : i32
    %dma_wait3A_541 = tpu.memref_slice %arg5[%dma_wait3A_539, %add3A_531, %dma_wait3A_540] : memref<3x4096x1024xf32, #tpu.memory_space<hbm>> -> memref<1x16x1024xf32, #tpu.memory_space<hbm>>
    %dma_wait3A_542 = tpu.memref_squeeze %dma_wait3A_541 : memref<1x16x1024xf32, #tpu.memory_space<hbm>> -> memref<16x1024xf32, #tpu.memory_space<hbm>>
    %dma_wait3A_543 = arith.constant 0 : i32
    %dma_wait3A_544 = tpu.memref_slice %arg5[%dma_wait3A_539, %add3A_531, %dma_wait3A_543] : memref<3x4096x1024xf32, #tpu.memory_space<hbm>> -> memref<1x16x1024xf32, #tpu.memory_space<hbm>>
    %dma_wait3A_545 = tpu.memref_squeeze %dma_wait3A_544 : memref<1x16x1024xf32, #tpu.memory_space<hbm>> -> memref<16x1024xf32, #tpu.memory_space<hbm>>
    tpu.wait_dma2 semaphore(%arg23 : memref<!tpu.dma_semaphore, #tpu.memory_space<semaphore_mem>>) src(%arg11 : memref<16x1024xf32, #tpu.memory_space<vmem>>) dst(%dma_wait3A_545 : memref<16x1024xf32, #tpu.memory_space<hbm>>)
    %dma_start3A_546 = arith.constant 2 : i32
    %dma_start3A_547 = arith.constant 96 : i32
    %dma_start3A_548 = tpu.memref_slice %arg6[%dma_start3A_546, %dma_start3A_547] : memref<3x128xi32, #tpu.memory_space<vmem>> -> memref<1x16xi32, #tpu.memory_space<vmem>>
    %dma_start3A_549 = tpu.memref_squeeze %dma_start3A_548 : memref<1x16xi32, #tpu.memory_space<vmem>> -> memref<16xi32, #tpu.memory_space<vmem>>
    %dma_start3A_550 = arith.constant 0 : i32
    %dma_start3A_551 = arith.constant 0 : i32
    %dma_start3A_552 = tpu.memref_slice %arg3[%dma_start3A_550, %dma_start3A_551] : memref<100000x1024xf32, #tpu.memory_space<hbm>> -> memref<100000x1024xf32, #tpu.memory_space<hbm>>
    tpu.enqueue_indirect_dma source(%dma_start3A_552 : memref<100000x1024xf32, #tpu.memory_space<hbm>>) target(%arg11 : memref<16x1024xf32, #tpu.memory_space<vmem>>) offsets(%dma_start3A_549 : memref<16xi32, #tpu.memory_space<vmem>>) semaphore(%arg17 : memref<!tpu.dma_semaphore, #tpu.memory_space<semaphore_mem>>)
    %dma_wait3A_553 = arith.constant 2 : i32
    %dma_wait3A_554 = arith.constant 16 : i32
    %dma_wait3A_555 = tpu.memref_slice %arg6[%dma_wait3A_553, %dma_wait3A_554] : memref<3x128xi32, #tpu.memory_space<vmem>> -> memref<1x16xi32, #tpu.memory_space<vmem>>
    %dma_wait3A_556 = tpu.memref_squeeze %dma_wait3A_555 : memref<1x16xi32, #tpu.memory_space<vmem>> -> memref<16xi32, #tpu.memory_space<vmem>>
    %dma_wait3A_557 = arith.constant 0 : i32
    %dma_wait3A_558 = arith.constant 0 : i32
    %dma_wait3A_559 = tpu.memref_slice %arg3[%dma_wait3A_557, %dma_wait3A_558] : memref<100000x1024xf32, #tpu.memory_space<hbm>> -> memref<100000x1024xf32, #tpu.memory_space<hbm>>
    tpu.wait_indirect_dma semaphore(%arg18 : memref<!tpu.dma_semaphore, #tpu.memory_space<semaphore_mem>>) src(%dma_wait3A_559 : memref<100000x1024xf32, #tpu.memory_space<hbm>>) dst(%arg12 : memref<16x1024xf32, #tpu.memory_space<vmem>>)
    %add3A_560 = arith.constant 16 : i32
    %add3A_561 = arith.addi %mul3A_2, %add3A_560 : i32
    %dma_start3A_562 = arith.constant 2 : i32
    %dma_start3A_563 = arith.constant 0 : i32
    %dma_start3A_564 = tpu.memref_slice %arg5[%dma_start3A_562, %add3A_561, %dma_start3A_563] : memref<3x4096x1024xf32, #tpu.memory_space<hbm>> -> memref<1x16x1024xf32, #tpu.memory_space<hbm>>
    %dma_start3A_565 = tpu.memref_squeeze %dma_start3A_564 : memref<1x16x1024xf32, #tpu.memory_space<hbm>> -> memref<16x1024xf32, #tpu.memory_space<hbm>>
    %dma_start3A_566 = arith.constant 0 : i32
    %dma_start3A_567 = tpu.memref_slice %arg5[%dma_start3A_562, %add3A_561, %dma_start3A_566] : memref<3x4096x1024xf32, #tpu.memory_space<hbm>> -> memref<1x16x1024xf32, #tpu.memory_space<hbm>>
    %dma_start3A_568 = tpu.memref_squeeze %dma_start3A_567 : memref<1x16x1024xf32, #tpu.memory_space<hbm>> -> memref<16x1024xf32, #tpu.memory_space<hbm>>
    tpu.enqueue_dma source(%arg12 : memref<16x1024xf32, #tpu.memory_space<vmem>>) target(%dma_start3A_568 : memref<16x1024xf32, #tpu.memory_space<hbm>>) target_semaphore(%arg24 : memref<!tpu.dma_semaphore, #tpu.memory_space<semaphore_mem>>)
    %dma_wait3A_569 = arith.constant 2 : i32
    %dma_wait3A_570 = arith.constant 0 : i32
    %dma_wait3A_571 = tpu.memref_slice %arg5[%dma_wait3A_569, %add3A_561, %dma_wait3A_570] : memref<3x4096x1024xf32, #tpu.memory_space<hbm>> -> memref<1x16x1024xf32, #tpu.memory_space<hbm>>
    %dma_wait3A_572 = tpu.memref_squeeze %dma_wait3A_571 : memref<1x16x1024xf32, #tpu.memory_space<hbm>> -> memref<16x1024xf32, #tpu.memory_space<hbm>>
    %dma_wait3A_573 = arith.constant 0 : i32
    %dma_wait3A_574 = tpu.memref_slice %arg5[%dma_wait3A_569, %add3A_561, %dma_wait3A_573] : memref<3x4096x1024xf32, #tpu.memory_space<hbm>> -> memref<1x16x1024xf32, #tpu.memory_space<hbm>>
    %dma_wait3A_575 = tpu.memref_squeeze %dma_wait3A_574 : memref<1x16x1024xf32, #tpu.memory_space<hbm>> -> memref<16x1024xf32, #tpu.memory_space<hbm>>
    tpu.wait_dma2 semaphore(%arg24 : memref<!tpu.dma_semaphore, #tpu.memory_space<semaphore_mem>>) src(%arg12 : memref<16x1024xf32, #tpu.memory_space<vmem>>) dst(%dma_wait3A_575 : memref<16x1024xf32, #tpu.memory_space<hbm>>)
    %dma_start3A_576 = arith.constant 2 : i32
    %dma_start3A_577 = arith.constant 112 : i32
    %dma_start3A_578 = tpu.memref_slice %arg6[%dma_start3A_576, %dma_start3A_577] : memref<3x128xi32, #tpu.memory_space<vmem>> -> memref<1x16xi32, #tpu.memory_space<vmem>>
    %dma_start3A_579 = tpu.memref_squeeze %dma_start3A_578 : memref<1x16xi32, #tpu.memory_space<vmem>> -> memref<16xi32, #tpu.memory_space<vmem>>
    %dma_start3A_580 = arith.constant 0 : i32
    %dma_start3A_581 = arith.constant 0 : i32
    %dma_start3A_582 = tpu.memref_slice %arg3[%dma_start3A_580, %dma_start3A_581] : memref<100000x1024xf32, #tpu.memory_space<hbm>> -> memref<100000x1024xf32, #tpu.memory_space<hbm>>
    tpu.enqueue_indirect_dma source(%dma_start3A_582 : memref<100000x1024xf32, #tpu.memory_space<hbm>>) target(%arg12 : memref<16x1024xf32, #tpu.memory_space<vmem>>) offsets(%dma_start3A_579 : memref<16xi32, #tpu.memory_space<vmem>>) semaphore(%arg18 : memref<!tpu.dma_semaphore, #tpu.memory_space<semaphore_mem>>)
    %dma_wait3A_583 = arith.constant 2 : i32
    %dma_wait3A_584 = arith.constant 32 : i32
    %dma_wait3A_585 = tpu.memref_slice %arg6[%dma_wait3A_583, %dma_wait3A_584] : memref<3x128xi32, #tpu.memory_space<vmem>> -> memref<1x16xi32, #tpu.memory_space<vmem>>
    %dma_wait3A_586 = tpu.memref_squeeze %dma_wait3A_585 : memref<1x16xi32, #tpu.memory_space<vmem>> -> memref<16xi32, #tpu.memory_space<vmem>>
    %dma_wait3A_587 = arith.constant 0 : i32
    %dma_wait3A_588 = arith.constant 0 : i32
    %dma_wait3A_589 = tpu.memref_slice %arg3[%dma_wait3A_587, %dma_wait3A_588] : memref<100000x1024xf32, #tpu.memory_space<hbm>> -> memref<100000x1024xf32, #tpu.memory_space<hbm>>
    tpu.wait_indirect_dma semaphore(%arg13 : memref<!tpu.dma_semaphore, #tpu.memory_space<semaphore_mem>>) src(%dma_wait3A_589 : memref<100000x1024xf32, #tpu.memory_space<hbm>>) dst(%arg7 : memref<16x1024xf32, #tpu.memory_space<vmem>>)
    %add3A_590 = arith.constant 32 : i32
    %add3A_591 = arith.addi %mul3A_2, %add3A_590 : i32
    %dma_start3A_592 = arith.constant 2 : i32
    %dma_start3A_593 = arith.constant 0 : i32
    %dma_start3A_594 = tpu.memref_slice %arg5[%dma_start3A_592, %add3A_591, %dma_start3A_593] : memref<3x4096x1024xf32, #tpu.memory_space<hbm>> -> memref<1x16x1024xf32, #tpu.memory_space<hbm>>
    %dma_start3A_595 = tpu.memref_squeeze %dma_start3A_594 : memref<1x16x1024xf32, #tpu.memory_space<hbm>> -> memref<16x1024xf32, #tpu.memory_space<hbm>>
    %dma_start3A_596 = arith.constant 0 : i32
    %dma_start3A_597 = tpu.memref_slice %arg5[%dma_start3A_592, %add3A_591, %dma_start3A_596] : memref<3x4096x1024xf32, #tpu.memory_space<hbm>> -> memref<1x16x1024xf32, #tpu.memory_space<hbm>>
    %dma_start3A_598 = tpu.memref_squeeze %dma_start3A_597 : memref<1x16x1024xf32, #tpu.memory_space<hbm>> -> memref<16x1024xf32, #tpu.memory_space<hbm>>
    tpu.enqueue_dma source(%arg7 : memref<16x1024xf32, #tpu.memory_space<vmem>>) target(%dma_start3A_598 : memref<16x1024xf32, #tpu.memory_space<hbm>>) target_semaphore(%arg19 : memref<!tpu.dma_semaphore, #tpu.memory_space<semaphore_mem>>)
    %dma_wait3A_599 = arith.constant 2 : i32
    %dma_wait3A_600 = arith.constant 48 : i32
    %dma_wait3A_601 = tpu.memref_slice %arg6[%dma_wait3A_599, %dma_wait3A_600] : memref<3x128xi32, #tpu.memory_space<vmem>> -> memref<1x16xi32, #tpu.memory_space<vmem>>
    %dma_wait3A_602 = tpu.memref_squeeze %dma_wait3A_601 : memref<1x16xi32, #tpu.memory_space<vmem>> -> memref<16xi32, #tpu.memory_space<vmem>>
    %dma_wait3A_603 = arith.constant 0 : i32
    %dma_wait3A_604 = arith.constant 0 : i32
    %dma_wait3A_605 = tpu.memref_slice %arg3[%dma_wait3A_603, %dma_wait3A_604] : memref<100000x1024xf32, #tpu.memory_space<hbm>> -> memref<100000x1024xf32, #tpu.memory_space<hbm>>
    tpu.wait_indirect_dma semaphore(%arg14 : memref<!tpu.dma_semaphore, #tpu.memory_space<semaphore_mem>>) src(%dma_wait3A_605 : memref<100000x1024xf32, #tpu.memory_space<hbm>>) dst(%arg8 : memref<16x1024xf32, #tpu.memory_space<vmem>>)
    %add3A_606 = arith.constant 48 : i32
    %add3A_607 = arith.addi %mul3A_2, %add3A_606 : i32
    %dma_start3A_608 = arith.constant 2 : i32
    %dma_start3A_609 = arith.constant 0 : i32
    %dma_start3A_610 = tpu.memref_slice %arg5[%dma_start3A_608, %add3A_607, %dma_start3A_609] : memref<3x4096x1024xf32, #tpu.memory_space<hbm>> -> memref<1x16x1024xf32, #tpu.memory_space<hbm>>
    %dma_start3A_611 = tpu.memref_squeeze %dma_start3A_610 : memref<1x16x1024xf32, #tpu.memory_space<hbm>> -> memref<16x1024xf32, #tpu.memory_space<hbm>>
    %dma_start3A_612 = arith.constant 0 : i32
    %dma_start3A_613 = tpu.memref_slice %arg5[%dma_start3A_608, %add3A_607, %dma_start3A_612] : memref<3x4096x1024xf32, #tpu.memory_space<hbm>> -> memref<1x16x1024xf32, #tpu.memory_space<hbm>>
    %dma_start3A_614 = tpu.memref_squeeze %dma_start3A_613 : memref<1x16x1024xf32, #tpu.memory_space<hbm>> -> memref<16x1024xf32, #tpu.memory_space<hbm>>
    tpu.enqueue_dma source(%arg8 : memref<16x1024xf32, #tpu.memory_space<vmem>>) target(%dma_start3A_614 : memref<16x1024xf32, #tpu.memory_space<hbm>>) target_semaphore(%arg20 : memref<!tpu.dma_semaphore, #tpu.memory_space<semaphore_mem>>)
    %dma_wait3A_615 = arith.constant 2 : i32
    %dma_wait3A_616 = arith.constant 64 : i32
    %dma_wait3A_617 = tpu.memref_slice %arg6[%dma_wait3A_615, %dma_wait3A_616] : memref<3x128xi32, #tpu.memory_space<vmem>> -> memref<1x16xi32, #tpu.memory_space<vmem>>
    %dma_wait3A_618 = tpu.memref_squeeze %dma_wait3A_617 : memref<1x16xi32, #tpu.memory_space<vmem>> -> memref<16xi32, #tpu.memory_space<vmem>>
    %dma_wait3A_619 = arith.constant 0 : i32
    %dma_wait3A_620 = arith.constant 0 : i32
    %dma_wait3A_621 = tpu.memref_slice %arg3[%dma_wait3A_619, %dma_wait3A_620] : memref<100000x1024xf32, #tpu.memory_space<hbm>> -> memref<100000x1024xf32, #tpu.memory_space<hbm>>
    tpu.wait_indirect_dma semaphore(%arg15 : memref<!tpu.dma_semaphore, #tpu.memory_space<semaphore_mem>>) src(%dma_wait3A_621 : memref<100000x1024xf32, #tpu.memory_space<hbm>>) dst(%arg9 : memref<16x1024xf32, #tpu.memory_space<vmem>>)
    %add3A_622 = arith.constant 64 : i32
    %add3A_623 = arith.addi %mul3A_2, %add3A_622 : i32
    %dma_start3A_624 = arith.constant 2 : i32
    %dma_start3A_625 = arith.constant 0 : i32
    %dma_start3A_626 = tpu.memref_slice %arg5[%dma_start3A_624, %add3A_623, %dma_start3A_625] : memref<3x4096x1024xf32, #tpu.memory_space<hbm>> -> memref<1x16x1024xf32, #tpu.memory_space<hbm>>
    %dma_start3A_627 = tpu.memref_squeeze %dma_start3A_626 : memref<1x16x1024xf32, #tpu.memory_space<hbm>> -> memref<16x1024xf32, #tpu.memory_space<hbm>>
    %dma_start3A_628 = arith.constant 0 : i32
    %dma_start3A_629 = tpu.memref_slice %arg5[%dma_start3A_624, %add3A_623, %dma_start3A_628] : memref<3x4096x1024xf32, #tpu.memory_space<hbm>> -> memref<1x16x1024xf32, #tpu.memory_space<hbm>>
    %dma_start3A_630 = tpu.memref_squeeze %dma_start3A_629 : memref<1x16x1024xf32, #tpu.memory_space<hbm>> -> memref<16x1024xf32, #tpu.memory_space<hbm>>
    tpu.enqueue_dma source(%arg9 : memref<16x1024xf32, #tpu.memory_space<vmem>>) target(%dma_start3A_630 : memref<16x1024xf32, #tpu.memory_space<hbm>>) target_semaphore(%arg21 : memref<!tpu.dma_semaphore, #tpu.memory_space<semaphore_mem>>)
    %dma_wait3A_631 = arith.constant 2 : i32
    %dma_wait3A_632 = arith.constant 80 : i32
    %dma_wait3A_633 = tpu.memref_slice %arg6[%dma_wait3A_631, %dma_wait3A_632] : memref<3x128xi32, #tpu.memory_space<vmem>> -> memref<1x16xi32, #tpu.memory_space<vmem>>
    %dma_wait3A_634 = tpu.memref_squeeze %dma_wait3A_633 : memref<1x16xi32, #tpu.memory_space<vmem>> -> memref<16xi32, #tpu.memory_space<vmem>>
    %dma_wait3A_635 = arith.constant 0 : i32
    %dma_wait3A_636 = arith.constant 0 : i32
    %dma_wait3A_637 = tpu.memref_slice %arg3[%dma_wait3A_635, %dma_wait3A_636] : memref<100000x1024xf32, #tpu.memory_space<hbm>> -> memref<100000x1024xf32, #tpu.memory_space<hbm>>
    tpu.wait_indirect_dma semaphore(%arg16 : memref<!tpu.dma_semaphore, #tpu.memory_space<semaphore_mem>>) src(%dma_wait3A_637 : memref<100000x1024xf32, #tpu.memory_space<hbm>>) dst(%arg10 : memref<16x1024xf32, #tpu.memory_space<vmem>>)
    %add3A_638 = arith.constant 80 : i32
    %add3A_639 = arith.addi %mul3A_2, %add3A_638 : i32
    %dma_start3A_640 = arith.constant 2 : i32
    %dma_start3A_641 = arith.constant 0 : i32
    %dma_start3A_642 = tpu.memref_slice %arg5[%dma_start3A_640, %add3A_639, %dma_start3A_641] : memref<3x4096x1024xf32, #tpu.memory_space<hbm>> -> memref<1x16x1024xf32, #tpu.memory_space<hbm>>
    %dma_start3A_643 = tpu.memref_squeeze %dma_start3A_642 : memref<1x16x1024xf32, #tpu.memory_space<hbm>> -> memref<16x1024xf32, #tpu.memory_space<hbm>>
    %dma_start3A_644 = arith.constant 0 : i32
    %dma_start3A_645 = tpu.memref_slice %arg5[%dma_start3A_640, %add3A_639, %dma_start3A_644] : memref<3x4096x1024xf32, #tpu.memory_space<hbm>> -> memref<1x16x1024xf32, #tpu.memory_space<hbm>>
    %dma_start3A_646 = tpu.memref_squeeze %dma_start3A_645 : memref<1x16x1024xf32, #tpu.memory_space<hbm>> -> memref<16x1024xf32, #tpu.memory_space<hbm>>
    tpu.enqueue_dma source(%arg10 : memref<16x1024xf32, #tpu.memory_space<vmem>>) target(%dma_start3A_646 : memref<16x1024xf32, #tpu.memory_space<hbm>>) target_semaphore(%arg22 : memref<!tpu.dma_semaphore, #tpu.memory_space<semaphore_mem>>)
    %dma_wait3A_647 = arith.constant 2 : i32
    %dma_wait3A_648 = arith.constant 96 : i32
    %dma_wait3A_649 = tpu.memref_slice %arg6[%dma_wait3A_647, %dma_wait3A_648] : memref<3x128xi32, #tpu.memory_space<vmem>> -> memref<1x16xi32, #tpu.memory_space<vmem>>
    %dma_wait3A_650 = tpu.memref_squeeze %dma_wait3A_649 : memref<1x16xi32, #tpu.memory_space<vmem>> -> memref<16xi32, #tpu.memory_space<vmem>>
    %dma_wait3A_651 = arith.constant 0 : i32
    %dma_wait3A_652 = arith.constant 0 : i32
    %dma_wait3A_653 = tpu.memref_slice %arg3[%dma_wait3A_651, %dma_wait3A_652] : memref<100000x1024xf32, #tpu.memory_space<hbm>> -> memref<100000x1024xf32, #tpu.memory_space<hbm>>
    tpu.wait_indirect_dma semaphore(%arg17 : memref<!tpu.dma_semaphore, #tpu.memory_space<semaphore_mem>>) src(%dma_wait3A_653 : memref<100000x1024xf32, #tpu.memory_space<hbm>>) dst(%arg11 : memref<16x1024xf32, #tpu.memory_space<vmem>>)
    %add3A_654 = arith.constant 96 : i32
    %add3A_655 = arith.addi %mul3A_2, %add3A_654 : i32
    %dma_start3A_656 = arith.constant 2 : i32
    %dma_start3A_657 = arith.constant 0 : i32
    %dma_start3A_658 = tpu.memref_slice %arg5[%dma_start3A_656, %add3A_655, %dma_start3A_657] : memref<3x4096x1024xf32, #tpu.memory_space<hbm>> -> memref<1x16x1024xf32, #tpu.memory_space<hbm>>
    %dma_start3A_659 = tpu.memref_squeeze %dma_start3A_658 : memref<1x16x1024xf32, #tpu.memory_space<hbm>> -> memref<16x1024xf32, #tpu.memory_space<hbm>>
    %dma_start3A_660 = arith.constant 0 : i32
    %dma_start3A_661 = tpu.memref_slice %arg5[%dma_start3A_656, %add3A_655, %dma_start3A_660] : memref<3x4096x1024xf32, #tpu.memory_space<hbm>> -> memref<1x16x1024xf32, #tpu.memory_space<hbm>>
    %dma_start3A_662 = tpu.memref_squeeze %dma_start3A_661 : memref<1x16x1024xf32, #tpu.memory_space<hbm>> -> memref<16x1024xf32, #tpu.memory_space<hbm>>
    tpu.enqueue_dma source(%arg11 : memref<16x1024xf32, #tpu.memory_space<vmem>>) target(%dma_start3A_662 : memref<16x1024xf32, #tpu.memory_space<hbm>>) target_semaphore(%arg23 : memref<!tpu.dma_semaphore, #tpu.memory_space<semaphore_mem>>)
    %dma_wait3A_663 = arith.constant 2 : i32
    %dma_wait3A_664 = arith.constant 112 : i32
    %dma_wait3A_665 = tpu.memref_slice %arg6[%dma_wait3A_663, %dma_wait3A_664] : memref<3x128xi32, #tpu.memory_space<vmem>> -> memref<1x16xi32, #tpu.memory_space<vmem>>
    %dma_wait3A_666 = tpu.memref_squeeze %dma_wait3A_665 : memref<1x16xi32, #tpu.memory_space<vmem>> -> memref<16xi32, #tpu.memory_space<vmem>>
    %dma_wait3A_667 = arith.constant 0 : i32
    %dma_wait3A_668 = arith.constant 0 : i32
    %dma_wait3A_669 = tpu.memref_slice %arg3[%dma_wait3A_667, %dma_wait3A_668] : memref<100000x1024xf32, #tpu.memory_space<hbm>> -> memref<100000x1024xf32, #tpu.memory_space<hbm>>
    tpu.wait_indirect_dma semaphore(%arg18 : memref<!tpu.dma_semaphore, #tpu.memory_space<semaphore_mem>>) src(%dma_wait3A_669 : memref<100000x1024xf32, #tpu.memory_space<hbm>>) dst(%arg12 : memref<16x1024xf32, #tpu.memory_space<vmem>>)
    %add3A_670 = arith.constant 112 : i32
    %add3A_671 = arith.addi %mul3A_2, %add3A_670 : i32
    %dma_start3A_672 = arith.constant 2 : i32
    %dma_start3A_673 = arith.constant 0 : i32
    %dma_start3A_674 = tpu.memref_slice %arg5[%dma_start3A_672, %add3A_671, %dma_start3A_673] : memref<3x4096x1024xf32, #tpu.memory_space<hbm>> -> memref<1x16x1024xf32, #tpu.memory_space<hbm>>
    %dma_start3A_675 = tpu.memref_squeeze %dma_start3A_674 : memref<1x16x1024xf32, #tpu.memory_space<hbm>> -> memref<16x1024xf32, #tpu.memory_space<hbm>>
    %dma_start3A_676 = arith.constant 0 : i32
    %dma_start3A_677 = tpu.memref_slice %arg5[%dma_start3A_672, %add3A_671, %dma_start3A_676] : memref<3x4096x1024xf32, #tpu.memory_space<hbm>> -> memref<1x16x1024xf32, #tpu.memory_space<hbm>>
    %dma_start3A_678 = tpu.memref_squeeze %dma_start3A_677 : memref<1x16x1024xf32, #tpu.memory_space<hbm>> -> memref<16x1024xf32, #tpu.memory_space<hbm>>
    tpu.enqueue_dma source(%arg12 : memref<16x1024xf32, #tpu.memory_space<vmem>>) target(%dma_start3A_678 : memref<16x1024xf32, #tpu.memory_space<hbm>>) target_semaphore(%arg24 : memref<!tpu.dma_semaphore, #tpu.memory_space<semaphore_mem>>)
    %dma_wait3A_679 = arith.constant 2 : i32
    %dma_wait3A_680 = arith.constant 0 : i32
    %dma_wait3A_681 = tpu.memref_slice %arg5[%dma_wait3A_679, %add3A_591, %dma_wait3A_680] : memref<3x4096x1024xf32, #tpu.memory_space<hbm>> -> memref<1x16x1024xf32, #tpu.memory_space<hbm>>
    %dma_wait3A_682 = tpu.memref_squeeze %dma_wait3A_681 : memref<1x16x1024xf32, #tpu.memory_space<hbm>> -> memref<16x1024xf32, #tpu.memory_space<hbm>>
    %dma_wait3A_683 = arith.constant 0 : i32
    %dma_wait3A_684 = tpu.memref_slice %arg5[%dma_wait3A_679, %add3A_591, %dma_wait3A_683] : memref<3x4096x1024xf32, #tpu.memory_space<hbm>> -> memref<1x16x1024xf32, #tpu.memory_space<hbm>>
    %dma_wait3A_685 = tpu.memref_squeeze %dma_wait3A_684 : memref<1x16x1024xf32, #tpu.memory_space<hbm>> -> memref<16x1024xf32, #tpu.memory_space<hbm>>
    tpu.wait_dma2 semaphore(%arg19 : memref<!tpu.dma_semaphore, #tpu.memory_space<semaphore_mem>>) src(%arg7 : memref<16x1024xf32, #tpu.memory_space<vmem>>) dst(%dma_wait3A_685 : memref<16x1024xf32, #tpu.memory_space<hbm>>)
    %dma_wait3A_686 = arith.constant 2 : i32
    %dma_wait3A_687 = arith.constant 0 : i32
    %dma_wait3A_688 = tpu.memref_slice %arg5[%dma_wait3A_686, %add3A_607, %dma_wait3A_687] : memref<3x4096x1024xf32, #tpu.memory_space<hbm>> -> memref<1x16x1024xf32, #tpu.memory_space<hbm>>
    %dma_wait3A_689 = tpu.memref_squeeze %dma_wait3A_688 : memref<1x16x1024xf32, #tpu.memory_space<hbm>> -> memref<16x1024xf32, #tpu.memory_space<hbm>>
    %dma_wait3A_690 = arith.constant 0 : i32
    %dma_wait3A_691 = tpu.memref_slice %arg5[%dma_wait3A_686, %add3A_607, %dma_wait3A_690] : memref<3x4096x1024xf32, #tpu.memory_space<hbm>> -> memref<1x16x1024xf32, #tpu.memory_space<hbm>>
    %dma_wait3A_692 = tpu.memref_squeeze %dma_wait3A_691 : memref<1x16x1024xf32, #tpu.memory_space<hbm>> -> memref<16x1024xf32, #tpu.memory_space<hbm>>
    tpu.wait_dma2 semaphore(%arg20 : memref<!tpu.dma_semaphore, #tpu.memory_space<semaphore_mem>>) src(%arg8 : memref<16x1024xf32, #tpu.memory_space<vmem>>) dst(%dma_wait3A_692 : memref<16x1024xf32, #tpu.memory_space<hbm>>)
    %dma_wait3A_693 = arith.constant 2 : i32
    %dma_wait3A_694 = arith.constant 0 : i32
    %dma_wait3A_695 = tpu.memref_slice %arg5[%dma_wait3A_693, %add3A_623, %dma_wait3A_694] : memref<3x4096x1024xf32, #tpu.memory_space<hbm>> -> memref<1x16x1024xf32, #tpu.memory_space<hbm>>
    %dma_wait3A_696 = tpu.memref_squeeze %dma_wait3A_695 : memref<1x16x1024xf32, #tpu.memory_space<hbm>> -> memref<16x1024xf32, #tpu.memory_space<hbm>>
    %dma_wait3A_697 = arith.constant 0 : i32
    %dma_wait3A_698 = tpu.memref_slice %arg5[%dma_wait3A_693, %add3A_623, %dma_wait3A_697] : memref<3x4096x1024xf32, #tpu.memory_space<hbm>> -> memref<1x16x1024xf32, #tpu.memory_space<hbm>>
    %dma_wait3A_699 = tpu.memref_squeeze %dma_wait3A_698 : memref<1x16x1024xf32, #tpu.memory_space<hbm>> -> memref<16x1024xf32, #tpu.memory_space<hbm>>
    tpu.wait_dma2 semaphore(%arg21 : memref<!tpu.dma_semaphore, #tpu.memory_space<semaphore_mem>>) src(%arg9 : memref<16x1024xf32, #tpu.memory_space<vmem>>) dst(%dma_wait3A_699 : memref<16x1024xf32, #tpu.memory_space<hbm>>)
    %dma_wait3A_700 = arith.constant 2 : i32
    %dma_wait3A_701 = arith.constant 0 : i32
    %dma_wait3A_702 = tpu.memref_slice %arg5[%dma_wait3A_700, %add3A_639, %dma_wait3A_701] : memref<3x4096x1024xf32, #tpu.memory_space<hbm>> -> memref<1x16x1024xf32, #tpu.memory_space<hbm>>
    %dma_wait3A_703 = tpu.memref_squeeze %dma_wait3A_702 : memref<1x16x1024xf32, #tpu.memory_space<hbm>> -> memref<16x1024xf32, #tpu.memory_space<hbm>>
    %dma_wait3A_704 = arith.constant 0 : i32
    %dma_wait3A_705 = tpu.memref_slice %arg5[%dma_wait3A_700, %add3A_639, %dma_wait3A_704] : memref<3x4096x1024xf32, #tpu.memory_space<hbm>> -> memref<1x16x1024xf32, #tpu.memory_space<hbm>>
    %dma_wait3A_706 = tpu.memref_squeeze %dma_wait3A_705 : memref<1x16x1024xf32, #tpu.memory_space<hbm>> -> memref<16x1024xf32, #tpu.memory_space<hbm>>
    tpu.wait_dma2 semaphore(%arg22 : memref<!tpu.dma_semaphore, #tpu.memory_space<semaphore_mem>>) src(%arg10 : memref<16x1024xf32, #tpu.memory_space<vmem>>) dst(%dma_wait3A_706 : memref<16x1024xf32, #tpu.memory_space<hbm>>)
    %dma_wait3A_707 = arith.constant 2 : i32
    %dma_wait3A_708 = arith.constant 0 : i32
    %dma_wait3A_709 = tpu.memref_slice %arg5[%dma_wait3A_707, %add3A_655, %dma_wait3A_708] : memref<3x4096x1024xf32, #tpu.memory_space<hbm>> -> memref<1x16x1024xf32, #tpu.memory_space<hbm>>
    %dma_wait3A_710 = tpu.memref_squeeze %dma_wait3A_709 : memref<1x16x1024xf32, #tpu.memory_space<hbm>> -> memref<16x1024xf32, #tpu.memory_space<hbm>>
    %dma_wait3A_711 = arith.constant 0 : i32
    %dma_wait3A_712 = tpu.memref_slice %arg5[%dma_wait3A_707, %add3A_655, %dma_wait3A_711] : memref<3x4096x1024xf32, #tpu.memory_space<hbm>> -> memref<1x16x1024xf32, #tpu.memory_space<hbm>>
    %dma_wait3A_713 = tpu.memref_squeeze %dma_wait3A_712 : memref<1x16x1024xf32, #tpu.memory_space<hbm>> -> memref<16x1024xf32, #tpu.memory_space<hbm>>
    tpu.wait_dma2 semaphore(%arg23 : memref<!tpu.dma_semaphore, #tpu.memory_space<semaphore_mem>>) src(%arg11 : memref<16x1024xf32, #tpu.memory_space<vmem>>) dst(%dma_wait3A_713 : memref<16x1024xf32, #tpu.memory_space<hbm>>)
    %dma_wait3A_714 = arith.constant 2 : i32
    %dma_wait3A_715 = arith.constant 0 : i32
    %dma_wait3A_716 = tpu.memref_slice %arg5[%dma_wait3A_714, %add3A_671, %dma_wait3A_715] : memref<3x4096x1024xf32, #tpu.memory_space<hbm>> -> memref<1x16x1024xf32, #tpu.memory_space<hbm>>
    %dma_wait3A_717 = tpu.memref_squeeze %dma_wait3A_716 : memref<1x16x1024xf32, #tpu.memory_space<hbm>> -> memref<16x1024xf32, #tpu.memory_space<hbm>>
    %dma_wait3A_718 = arith.constant 0 : i32
    %dma_wait3A_719 = tpu.memref_slice %arg5[%dma_wait3A_714, %add3A_671, %dma_wait3A_718] : memref<3x4096x1024xf32, #tpu.memory_space<hbm>> -> memref<1x16x1024xf32, #tpu.memory_space<hbm>>
    %dma_wait3A_720 = tpu.memref_squeeze %dma_wait3A_719 : memref<1x16x1024xf32, #tpu.memory_space<hbm>> -> memref<16x1024xf32, #tpu.memory_space<hbm>>
    tpu.wait_dma2 semaphore(%arg24 : memref<!tpu.dma_semaphore, #tpu.memory_space<semaphore_mem>>) src(%arg12 : memref<16x1024xf32, #tpu.memory_space<vmem>>) dst(%dma_wait3A_720 : memref<16x1024xf32, #tpu.memory_space<hbm>>)
    return
  }
}

</mosaic_0001>

<sc_bundles>
// kernel: kernel.3.cloned.1.call-start
scs
__scs_entry_jumppad:
0x0: {  	(pc) =	sbr.rel $0x88, $3  }
0x1: {  	(tag) =	ssettag $0x0;
	lr =	simm.s32 $0x1  }
0x2: {  	[smem:$0x3F9E] =	sst lr;
	_ =	strace $0xD0000000  }
0x3: {  	_ = 	snop  }
0x4: {  	_ = 	snop  }
0x5: {  	_ = 	snop  }
0x6: {  	_ = 	snop  }
0x7: {  	_ = 	snop  }
__scs_overlays_trampoline_lowered:
0x8: {  	[smem:$0x3FAD] =	sst s0  }
0x9: {  	[smem:$0x3FAE] =	sst s1  }
0xa: {  	[smem:$0x3FAF] =	sst s2  }
0xb: {  	[smem:$0x3FB0] =	sst s3  }
0xc: {  	[smem:$0x3FB1] =	sst s4  }
0xd: {  	[smem:$0x3FB2] =	sst s5  }
0xe: {  	[smem:$0x3FB3] =	sst s6  }
0xf: {  	[smem:$0x3FB4] =	sst s7  }
0x10: {  	[smem:$0x3FB5] =	sst s8  }
0x11: {  	[smem:$0x3FB6] =	sst s9;
	s0 =	simm.s32 @!p0 $0x0  }
0x12: {  	s1 =	sld [smem:$0x3F9C];
	s0 =	simm.s32 @p0 $0x1  }
0x13: {  	[smem:$0x3FB7] =	sst s0;
	s0 =	simm.s32 @!p1 $0x0  }
0x14: {  	s2 =	sld [smem:$0x3F9B];
	s0 =	simm.s32 @p1 $0x1  }
0x15: {  	[smem:$0x3FB8] =	sst s0;
	s0 =	simm.s32 @!p2 $0x0  }
0x16: {  	s3 =	sld [smem:$0x3FDB];
	s0 =	simm.s32 @p2 $0x1  }
0x17: {  	s4 =	simm.s32 $0x1BF5;
	[smem:$0x3FBA] =	sst s0  }
0x18: {  	s0 =	sld [smem:$0x3F9D];
	_ =	swait.ge [sflag:s4], $0x0  }
0x19: {  	s7 =	sld [smem:$0x3F9E]  }
0x1a: {  	s8 =	sadd.s32 $0xFFFFE003, lr  }
0x1b: {  	s9 =	sadd.s32 $0xFFFFFEF7, lr;
	s5 =	simm.s32 $0xFFFFFFFF;
	p2 =	slt.u32 s8, $0xFFFFF086  }
0x1c: {  	p1 =	slt.u32 s9, $0xF7A;
	s5 =	simm.s32 @!p2 $0x0  }
0x1d: {  	s5 =	simm.s32 @p1 $0x1;
	p0 =	seq.s32 s7, s2  }
0x1e: {  	s7 =	smul.u32 @!p0 $0xF7A, s2;
	p2 =	seq.s32 @!p0 s5, $0x0  }
0x1f: {  	s9 =	smul.u32 $0xF7A, s1;
	s8 =	simm.s32 @!p0 $0x1BF5;
	p2 =	por !p2, p0  }
0x20: {  	[sflag:s8] =	ssyncset.s32 @!p0 $0xFFFFF086;
	s6 =	sadd.s32 @!p0 s3, s7;
	s7 =	simm.s32 @!p0 $0x108  }
0x21: {  	s3 =	sadd.s32 s3, s9;
	s6 =	sadd.s32 @!p0 $0x88, s6;
	s7 =	simm.s32 @p2 $0x1082  }
0x22: {  	[simem:s7], [sflag:s8] =	dma.local @!p0 [hbm:s6], $0xF7A  }
0x23: {  	s9 =	sor.u32 $0xD0000000, s2;
	s6 =	simm.s32 $0x108;
	_ =	swait.ge @!p0 [sflag:s8], $0x0  }
0x24: {  	s3 =	sadd.s32 $0x88, s3;
	s6 =	simm.s32 @!p1 $0x1082;
	[sflag:s4] =	ssyncset.s32 $0xFFFFF086  }
0x25: {  	[simem:s6], [sflag:s4] =	dma.local [hbm:s3], $0xF7A  }
0x26: {  	[smem:$0x3F9E] =	sst s1;
	(tag) =	ssettag s2;
	_ =	strace s9  }
0x27: {  	s1 =	sld [smem:$0x3FAE]  }
0x28: {  	s2 =	sld [smem:$0x3FAF]  }
0x29: {  	s4 =	sld [smem:$0x3FB1]  }
0x2a: {  	p0 =	seq.s32 s5, $0x0;
	s5 =	sld [smem:$0x3FB2]  }
0x2b: {  	s6 =	sld [smem:$0x3FB3]  }
0x2c: {  	s7 =	sld [smem:$0x3FB4]  }
0x2d: {  	s3 =	simm.s32 $0x108;
	s8 =	sld [smem:$0x3FB5]  }
0x2e: {  	s3 =	simm.s32 @!p0 $0x1082;
	s9 =	sld [smem:$0x3FB6]  }
0x2f: {  	lr =	sadd.s32 s0, s3;
	s0 =	sld [smem:$0x3FAD]  }
0x30: {  	s3 =	sld [smem:$0x3FB0]  }
0x31: {  	[smem:$0x3FB9] =	sst s10  }
0x32: {  	s10 =	sld [smem:$0x3FB7];
	_ =	sdelay $0x3  }
0x33: {  	p0 =	seq.s32 s10, $0x1;
	s10 =	sld [smem:$0x3FB9];
	_ =	sdelay $0x3  }
0x34: {  	[smem:$0x3FB9] =	sst s10  }
0x35: {  	s10 =	sld [smem:$0x3FB8];
	_ =	sdelay $0x3  }
0x36: {  	p1 =	seq.s32 s10, $0x1;
	s10 =	sld [smem:$0x3FB9];
	_ =	sdelay $0x3  }
0x37: {  	[smem:$0x3FB9] =	sst s10  }
0x38: {  	s10 =	sld [smem:$0x3FBA]  }
0x39: {  	_ = 	snop;
	(pc) =	sbr.ind lr, $3  }
0x3a: {  	_ = 	snop  }
0x3b: {  	_ = 	snop  }
0x3c: {  	p2 =	seq.s32 s10, $0x1;
	s10 =	sld [smem:$0x3FB9]  }
0x3d: {  	_ =	shalt  }
0x3e: {  	_ =	shalt  }
0x3f: {  	_ =	shalt  }
0x40: {  	_ =	shalt  }
0x41: {  	_ =	shalt  }
0x42: {  	_ =	shalt  }
0x43: {  	_ =	shalt  }
0x44: {  	_ =	shalt  }
0x45: {  	_ =	shalt  }
0x46: {  	_ =	shalt  }
0x47: {  	_ =	shalt  }
0x48: {  	_ =	shalt  }
0x49: {  	_ =	shalt  }
0x4a: {  	_ =	shalt  }
0x4b: {  	_ =	shalt  }
0x4c: {  	_ =	shalt  }
0x4d: {  	_ =	shalt  }
0x4e: {  	_ =	shalt  }
0x4f: {  	_ =	shalt  }
0x50: {  	_ =	shalt  }
0x51: {  	_ =	shalt  }
0x52: {  	_ =	shalt  }
0x53: {  	_ =	shalt  }
0x54: {  	_ =	shalt  }
0x55: {  	_ =	shalt  }
0x56: {  	_ =	shalt  }
0x57: {  	_ =	shalt  }
0x58: {  	_ =	shalt  }
0x59: {  	_ =	shalt  }
0x5a: {  	_ =	shalt  }
0x5b: {  	_ =	shalt  }
0x5c: {  	_ =	shalt  }
0x5d: {  	_ =	shalt  }
0x5e: {  	_ =	shalt  }
0x5f: {  	_ =	shalt  }
0x60: {  	_ =	shalt  }
0x61: {  	_ =	shalt  }
0x62: {  	_ =	shalt  }
0x63: {  	_ =	shalt  }
0x64: {  	_ =	shalt  }
0x65: {  	_ =	shalt  }
0x66: {  	_ =	shalt  }
0x67: {  	_ =	shalt  }
0x68: {  	_ =	shalt  }
0x69: {  	_ =	shalt  }
0x6a: {  	_ =	shalt  }
0x6b: {  	_ =	shalt  }
0x6c: {  	_ =	shalt  }
0x6d: {  	_ =	shalt  }
0x6e: {  	_ =	shalt  }
0x6f: {  	_ =	shalt  }
0x70: {  	_ =	shalt  }
0x71: {  	_ =	shalt  }
0x72: {  	_ =	shalt  }
0x73: {  	_ =	shalt  }
0x74: {  	_ =	shalt  }
0x75: {  	_ =	shalt  }
0x76: {  	_ =	shalt  }
0x77: {  	_ =	shalt  }
0x78: {  	_ =	shalt  }
0x79: {  	_ =	shalt  }
0x7a: {  	_ =	shalt  }
0x7b: {  	_ =	shalt  }
0x7c: {  	_ =	shalt  }
0x7d: {  	_ =	shalt  }
0x7e: {  	_ =	shalt  }
0x7f: {  	_ =	shalt  }
0x80: {  	_ =	shalt  }
0x81: {  	_ =	shalt  }
0x82: {  	_ =	shalt  }
0x83: {  	_ =	shalt  }
0x84: {  	_ =	shalt  }
0x85: {  	_ =	shalt  }
0x86: {  	_ =	shalt  }
0x87: {  	_ =	shalt  }
.Lfunc_end0:
.L_simem_size_0:
called_computation_lowered:
.L_overlay_start_0:
0x88: {  	s2 =	sld [smem:$0x3FD9]  }
0x89: {  	s3 =	sld [smem:$0x3FFE];
	_ =	sdelay $0x1  }
0x8a: {  	s1 =	srdreg.scid  }
0x8b: {  	s0 =	sand.u32 $0x1, s1  }
0x8c: {  	s18 =	sshll.u32 s0, $0xA;
	s2 =	sadd.s32 s3, s2  }
0x8d: {  	s2 =	sadd.s32 s2, s18  }
0x8e: {  	[smem:$0x3FC5] =	sst s2  }
0x8f: {  	_ = 	snop  }
0x90: {  	s2 =	sld [smem:$0x3FC9]  }
0x91: {  	s19 =	sld [smem:$0x3FC8]  }
0x92: {  	s4 =	sld [smem:$0x3FC7]  }
0x93: {  	s5 =	sld [smem:$0x3FD0];
	(tm) =	ssettm $0x1  }
0x94: {  	s6 =	sld [smem:$0x3FFB];
	_ =	sdelay $0x3  }
0x95: {  	_ =	strace s6  }
0x96: {  	s6 =	sld [smem:$0x3FFC];
	_ =	sdelay $0x3  }
0x97: {  	_ =	strace s6  }
0x98: {  	s6 =	sld [smem:$0x3FFD];
	_ =	sdelay $0x3  }
0x99: {  	_ =	strace s6  }
0x9a: {  	_ =	strace $0x8FFFFFFF  }
0x9b: {  	s20 =	sld [smem:$0x3FDB];
	_ =	sdelay $0x1  }
0x9c: {  	s7 =	simm.s32 $_scs_section_size  }
0x9d: {  	s8 =	simm.s32 $_size__tile_overlayer_lowered;
	s9 =	simm.s32 $_tile_overlayer_lowered  }
0x9e: {  	s23 =	simm.s32 $0x1BFF;
	s22 =	sshll.u32 s9, $0x1;
	s6 =	sadd.s32 s7, s20  }
0x9f: {  	s10 =	simm.s32 $0x0;
	s21 =	sshll.u32 s8, $0x1;
	s8 =	sadd.s32 s22, s6  }
0xa0: {  	[timem:s10], [sflag:s23] =	dma.local [hbm:s8], s21  }
0xa1: {  	_ =	swait.ge [sflag:s23], s21  }
0xa2: {  	s7 =	ssub.s32 $0x0, s21;
	[sflag:s23] =	ssyncset.done $0x0  }
0xa3: {  	[sflag:s23] =	ssyncadd.s32 s7;
	_ =	sdelay $0x1  }
0xa4: {  	s24 =	simm.s32 $0x1B8B  }
0xa5: {  	_ =	swait.ge [sflag:s24], $0x1  }
0xa6: {  	[sflag:s24] =	ssyncset.done $0x0  }
0xa7: {  	s25 =	simm.s32 $0x1B8E;
	[sflag:s24] =	ssyncadd.s32 $0xFFFFFFFF  }
0xa8: {  	s26 =	simm.s32 $execute0_lowered;
	[smem:$0x3FD2] =	sst s25  }
0xa9: {  	s7 =	sshll.u32 s26, $0x1;
	_ =	strace $0x80000046;
	[dreg:$0x1] =	wrdreg $0xFFFFFFFF  }
0xaa: {  	s28 =	simm.s32 $_size_execute0_lowered;
	s6 =	sadd.s32 s6, s7;
	[dreg:$0x0] =	wrdreg $0x0  }
0xab: {  	s7 =	sshll.u32 s28, $0x1;
	[dreg:$0x2] =	wrdreg s6  }
0xac: {  	[dreg:$0x3] =	wrdreg s7  }
0xad: {  	[dreg:$0x4] =	wrdreg $0xC0  }
0xae: {  	_ =	task [dreg:s10], $0x5FFFF  }
0xaf: {  	[dreg:$0x1] =	wrdreg $0xFFFFFFFF  }
0xb0: {  	[dreg:$0x0] =	wrdreg $0x60  }
0xb1: {  	[dreg:$0x2] =	wrdreg s2  }
0xb2: {  	[dreg:$0x3] =	wrdreg s19  }
0xb3: {  	[dreg:$0x4] =	wrdreg s4  }
0xb4: {  	[dreg:$0x5] =	wrdreg s5  }
0xb5: {  	[dreg:$0x6] =	wrdreg $0x9  }
0xb6: {  	_ =	task.clear_ibuf [dreg:s10], $0x7FFFF;
	_ =	strace $0x90000046  }
0xb7: {  	s29 =	simm.s32 $0x9;
	_ =	strace $0x80000048  }
0xb8: {  	_ =	swait.ge [sflag:s29], $0x1  }
0xb9: {  	[sflag:s29] =	ssyncadd.s32 $0xFFFFFFFF  }
0xba: {  	_ =	strace $0x90000048  }
0xbb: {  	_ =	sfence  }
0xbc: {  	s30 =	sld [smem:$0x0];
	_ =	sdelay $0x2  }
0xbd: {  	s31 =	sshll.u32 s1, $0xD;
	s1 =	sshrl.u32 s1, $0x2  }
0xbe: {  	s3 =	sand.u32 $0x4000, s31;
	s1 =	sadd.s32 s1, s30  }
0xbf: {  	s0 =	sor.u32 s3, s0;
	s1 =	sshll.u32 s1, $0x11  }
0xc0: {  	s0 =	sor.u32 s1, s0  }
0xc1: {  	s0 =	sadd.s32 $0x8F2B, s0  }
0xc2: {  	[sflag:s0] =	ssyncadd.remote.s32 $0x1  }
0xc3: {  	_ =	sfence.sel $0xFFFF  }
0xc4: {  	[dreg:$0x0] =	wrdreg $0xFFFFFFFF;
	(pc) =	sbr.abs _section_cstart, $3  }
0xc5: {  	[dreg:$0x1] =	wrdreg $0xFFFFFFFF  }
0xc6: {  	_ =	task.clear_ibuf [dreg:s10], $0x2FFFF;
	_ =	strace $0x9FFFFFFF  }
0xc7: {  	(tm) =	ssettm $0x7FFFFFFF  }
tec
execute0_lowered:
.L_overlay_start_1:
0x0: {  	(tag) =	ssettag $0x1  }
0x1: {  	s0 =	rddreg [dreg:$0x0];
	s2 =	srdreg.scid  }
0x2: {  	s1 =	rddreg [dreg:$0x1];
	s4 =	stileid.u32;
	s2 =	sand.u32 $0x1, s2  }
0x3: {  	s3 =	rddreg [dreg:$0x2];
	s4 =	sshll.u32 s4, $0x8;
	s5 =	sshll.u32 s2, $0x7  }
0x4: {  	s6 =	rddreg [dreg:$0x3];
	s5 =	sor.u32 s5, s4  }
0x5: {  	s4 =	simm.s32 $0x0;
	s7 =	sshll.u32 s5, $0x7;
	s5 =	sshrl.u32 s5, $0x1  }
0x6: {  	[smem:$0x7FF] =	sst s4;
	s0 =	sadd.s32 s0, s5  }
0x7: {  	s12 =	sadd.s32 s6, s7;
	_ =	strace $0x80000047;
	[dreg:$0x1e] =	wrdreg s0  }
0x8: {  	s6 =	sadd.s32 $0x800, s12;
	[dreg:$0x1d] =	wrdreg s12  }
0x9: {  	s26 =	sadd.s32 $0x1000, s12;
	[dreg:$0x5] =	wrdreg s6  }
0xa: {  	s28 =	sadd.s32 $0x1800, s12;
	[dreg:$0x6] =	wrdreg s26  }
0xb: {  	s29 =	sadd.s32 $0x2000, s12;
	[dreg:$0x7] =	wrdreg s28  }
0xc: {  	s7 =	sadd.s32 $0x2800, s12;
	[dreg:$0x8] =	wrdreg s29  }
0xd: {  	s8 =	sadd.s32 $0x3000, s12;
	[dreg:$0x9] =	wrdreg s7  }
0xe: {  	s9 =	sadd.s32 $0x3800, s12;
	[dreg:$0xa] =	wrdreg s8  }
0xf: {  	s10 =	sadd.s32 $0x80000, s12;
	[dreg:$0xb] =	wrdreg s9  }
0x10: {  	s11 =	sadd.s32 $0x80800, s12;
	[dreg:$0xc] =	wrdreg s10  }
0x11: {  	s30 =	simm.s32 $0x7;
	s13 =	sadd.s32 $0x81000, s12;
	[dreg:$0xd] =	wrdreg s11  }
0x12: {  	s31 =	simm.s32 $0x2;
	s14 =	sadd.s32 $0x81800, s12;
	[dreg:$0xe] =	wrdreg s13  }
0x13: {  	s2 =	ssub.s32 $0x2, s2;
	s15 =	sadd.s32 $0x82000, s12;
	[dreg:$0xf] =	wrdreg s14  }
0x14: {  	s18 =	sshrl.u32 s2, $0x1;
	s16 =	sadd.s32 $0x82800, s12;
	[dreg:$0x10] =	wrdreg s15  }
0x15: {  	s2 =	ssub.s32 s2, s18;
	s17 =	sadd.s32 $0x83000, s12;
	[dreg:$0x11] =	wrdreg s16  }
0x16: {  	s18 =	simm.s32 $0x5;
	s19 =	sadd.s32 $0x83800, s12;
	[dreg:$0x12] =	wrdreg s17  }
0x17: {  	s5 =	simm.s32 $0x9;
	s20 =	sadd.s32 $0x100000, s12;
	[dreg:$0x13] =	wrdreg s19  }
0x18: {  	s21 =	sadd.s32 $0x100800, s12;
	s22 =	sadd.s32 $0x101000, s12;
	[dreg:$0x14] =	wrdreg s20  }
0x19: {  	s23 =	sadd.s32 $0x101800, s12;
	s24 =	sadd.s32 $0x102000, s12;
	[dreg:$0x15] =	wrdreg s21  }
0x1a: {  	s25 =	sadd.s32 $0x102800, s12;
	s0 =	simm.s32 $0x8;
	[dreg:$0x16] =	wrdreg s22  }
0x1b: {  	s7 =	sadd.s32 $0x100, s1;
	s8 =	sadd.s32 $0x200, s1;
	[dreg:$0x17] =	wrdreg s23  }
0x1c: {  	s9 =	sadd.s32 $0x300, s1;
	[dreg:$0x18] =	wrdreg s24;
	s10 =	sadd.s32 $0x100, s3  }
0x1d: {  	[dreg:$0x19] =	wrdreg s25;
	s26 =	sadd.s32 $0x103000, s12;
	s11 =	sadd.s32 $0x200, s3  }
0x1e: {  	s28 =	sadd.s32 $0x103800, s12;
	s12 =	sadd.s32 $0x300, s3;
	s29 =	simm.s32 $0x4000  }
0x1f: {  	s13 =	smax.u32 s2, $0x1;
	s15 =	simm.s32 $0x3;
	s6 =	simm.s32 $0x4  }
0x20: {  	v2 =	vlaneseq.u32;
	s16 =	simm.s32 $0xA;
	s20 =	simm.s32 $0xB;
	[dreg:$0x1a] =	wrdreg s26  }
0x21: {  	vm0 =	vmmov $0xffff;
	v1 =	vshrl.u32 v2, $0x3;
	s21 =	simm.s32 $0x6;
	s22 =	simm.s32 $0xC;
	[dreg:$0x1b] =	wrdreg s28  }
0x22: {  	v0 =	vand.u32 $0x7, v2;
	v2 =	vor.u32 $0x8, v2;
	v1 =	vmul.u32 $0x8, v1;
	s14 =	simm.s32 $0x14200;
	[dreg:$0x1c] =	wrdreg s29;
	s26 =	simm.s32 $0x1  }
.LBB2_1:
0x23: {  	s24 =	rddreg [dreg:$0x1c]  }
0x24: {  	s25 =	rddreg [dreg:$0x1e];
	s2 =	simm.s32 $0x200  }
0x25: {  	[tilespmem:s4], [sflag:$0xD] =	stream.strided.gather [hbm4b:s25+s2], $0x0, s24, s2, $0x38;
	[tilespmem:$0x18200] =	vst v63  }
0x26: {  	s29 =	simm.s32 $0xD  }
0x27: {  	[tilespmem:s4], [sflag:$0xD] =	stream.linear.gather [hbm4b:s25+s4], $0x180, $0x38;
	[tilespmem:$0x18200] =	vst v63  }
0x28: {  	_ =	swait.ge [sflag:s29], $0x180  }
0x29: {  	[sflag:s29] =	ssyncset.done $0x0  }
0x2a: {  	[sflag:s29] =	ssyncadd.s32 $0xFFFFFE80  }
0x2b: {  	v3 =	vld [tilespmem:$0x0];
	_ =	sdelay $0x4  }
0x2c: {  	v4 =	vshll.u32 v3, $0x3  }
0x2d: {  	v3 =	vand.u32 $0x7, v3;
	v4 =	vand.u32 $0xFFFFFFC0, v4  }
0x2e: {  	v3 =	vor.u32 v3, v4  }
0x2f: {  	v4 =	vperm.xlane v3, v0;
	_ =	sdelay $0x1  }
0x30: {  	v4 =	vadd.s32 v1, v4;
	_ =	sdelay $0x3  }
0x31: {  	s28 =	simm.s32 $0x200  }
0x32: {  	[tilespmem:s28], [sflag:$0x1] =	stream.indirect_vreg.gather [hbm4b:s1+s4], $0x80, v4, vm0, $0xb8;
	[tilespmem:$0x18200] =	vst v63  }
0x33: {  	s17 =	simm.s32 $0xA00;
	v3 =	vperm.xlane v3, v2  }
0x34: {  	[tilespmem:s17], [sflag:$0x1] =	stream.indirect_vreg.gather [hbm4b:s7+s4], $0x80, v4, vm0, $0xb8;
	[tilespmem:$0x18200] =	vst v63  }
0x35: {  	s19 =	simm.s32 $0x1200;
	v3 =	vadd.s32 v1, v3  }
0x36: {  	[tilespmem:s19], [sflag:$0x1] =	stream.indirect_vreg.gather [hbm4b:s8+s4], $0x80, v4, vm0, $0xb8;
	[tilespmem:$0x18200] =	vst v63  }
0x37: {  	s24 =	simm.s32 $0x1A00  }
0x38: {  	[tilespmem:s24], [sflag:$0x1] =	stream.indirect_vreg.gather [hbm4b:s9+s4], $0x80, v4, vm0, $0xb8;
	[tilespmem:$0x18200] =	vst v63  }
0x39: {  	s25 =	simm.s32 $0x2200  }
0x3a: {  	[tilespmem:s25], [sflag:$0x1] =	stream.indirect_vreg.gather [hbm4b:s1+s4], $0x80, v3, vm0, $0xb8;
	[tilespmem:$0x18200] =	vst v63  }
0x3b: {  	s28 =	simm.s32 $0x2A00  }
0x3c: {  	[tilespmem:s28], [sflag:$0x1] =	stream.indirect_vreg.gather [hbm4b:s7+s4], $0x80, v3, vm0, $0xb8;
	[tilespmem:$0x18200] =	vst v63  }
0x3d: {  	s29 =	simm.s32 $0x3200  }
0x3e: {  	[tilespmem:s29], [sflag:$0x1] =	stream.indirect_vreg.gather [hbm4b:s8+s4], $0x80, v3, vm0, $0xb8;
	[tilespmem:$0x18200] =	vst v63  }
0x3f: {  	s17 =	simm.s32 $0x3A00  }
0x40: {  	[tilespmem:s17], [sflag:$0x1] =	stream.indirect_vreg.gather [hbm4b:s9+s4], $0x80, v3, vm0, $0xb8;
	[tilespmem:$0x18200] =	vst v63  }
0x41: {  	v3 =	vld [tilespmem:$0x10];
	_ =	sdelay $0x4  }
0x42: {  	v41 =	vshll.u32 v3, $0x3  }
0x43: {  	v3 =	vand.u32 $0x7, v3;
	v4 =	vand.u32 $0xFFFFFFC0, v41  }
0x44: {  	v3 =	vor.u32 v3, v4  }
0x45: {  	v4 =	vperm.xlane v3, v0;
	_ =	sdelay $0x1  }
0x46: {  	v4 =	vadd.s32 v1, v4;
	_ =	sdelay $0x3  }
0x47: {  	s24 =	simm.s32 $0x4200  }
0x48: {  	[tilespmem:s24], [sflag:$0x2] =	stream.indirect_vreg.gather [hbm4b:s1+s4], $0x80, v4, vm0, $0xb8;
	[tilespmem:$0x18200] =	vst v63  }
0x49: {  	s17 =	simm.s32 $0x4A00;
	v3 =	vperm.xlane v3, v2  }
0x4a: {  	[tilespmem:s17], [sflag:$0x2] =	stream.indirect_vreg.gather [hbm4b:s7+s4], $0x80, v4, vm0, $0xb8;
	[tilespmem:$0x18200] =	vst v63  }
0x4b: {  	v3 =	vadd.s32 v1, v3;
	s24 =	simm.s32 $0x5200  }
0x4c: {  	[tilespmem:s24], [sflag:$0x2] =	stream.indirect_vreg.gather [hbm4b:s8+s4], $0x80, v4, vm0, $0xb8;
	[tilespmem:$0x18200] =	vst v63  }
0x4d: {  	s17 =	simm.s32 $0x5A00  }
0x4e: {  	[tilespmem:s17], [sflag:$0x2] =	stream.indirect_vreg.gather [hbm4b:s9+s4], $0x80, v4, vm0, $0xb8;
	[tilespmem:$0x18200] =	vst v63  }
0x4f: {  	s24 =	simm.s32 $0x6200  }
0x50: {  	[tilespmem:s24], [sflag:$0x2] =	stream.indirect_vreg.gather [hbm4b:s1+s4], $0x80, v3, vm0, $0xb8;
	[tilespmem:$0x18200] =	vst v63  }
0x51: {  	s17 =	simm.s32 $0x6A00  }
0x52: {  	[tilespmem:s17], [sflag:$0x2] =	stream.indirect_vreg.gather [hbm4b:s7+s4], $0x80, v3, vm0, $0xb8;
	[tilespmem:$0x18200] =	vst v63  }
0x53: {  	s24 =	simm.s32 $0x7200  }
0x54: {  	[tilespmem:s24], [sflag:$0x2] =	stream.indirect_vreg.gather [hbm4b:s8+s4], $0x80, v3, vm0, $0xb8;
	[tilespmem:$0x18200] =	vst v63  }
0x55: {  	s17 =	simm.s32 $0x7A00  }
0x56: {  	[tilespmem:s17], [sflag:$0x2] =	stream.indirect_vreg.gather [hbm4b:s9+s4], $0x80, v3, vm0, $0xb8;
	[tilespmem:$0x18200] =	vst v63  }
0x57: {  	v3 =	vld [tilespmem:$0x20];
	_ =	sdelay $0x4  }
0x58: {  	v42 =	vshll.u32 v3, $0x3  }
0x59: {  	v3 =	vand.u32 $0x7, v3;
	v4 =	vand.u32 $0xFFFFFFC0, v42  }
0x5a: {  	v3 =	vor.u32 v3, v4  }
0x5b: {  	v4 =	vperm.xlane v3, v0;
	_ =	sdelay $0x1  }
0x5c: {  	v4 =	vadd.s32 v1, v4;
	_ =	sdelay $0x3  }
0x5d: {  	s24 =	simm.s32 $0x8200  }
0x5e: {  	[tilespmem:s24], [sflag:$0x3] =	stream.indirect_vreg.gather [hbm4b:s1+s4], $0x80, v4, vm0, $0xb8;
	[tilespmem:$0x18200] =	vst v63  }
0x5f: {  	s17 =	simm.s32 $0x8A00;
	v3 =	vperm.xlane v3, v2  }
0x60: {  	[tilespmem:s17], [sflag:$0x3] =	stream.indirect_vreg.gather [hbm4b:s7+s4], $0x80, v4, vm0, $0xb8;
	[tilespmem:$0x18200] =	vst v63  }
0x61: {  	v3 =	vadd.s32 v1, v3;
	s24 =	simm.s32 $0x9200  }
0x62: {  	[tilespmem:s24], [sflag:$0x3] =	stream.indirect_vreg.gather [hbm4b:s8+s4], $0x80, v4, vm0, $0xb8;
	[tilespmem:$0x18200] =	vst v63  }
0x63: {  	s17 =	simm.s32 $0x9A00  }
0x64: {  	[tilespmem:s17], [sflag:$0x3] =	stream.indirect_vreg.gather [hbm4b:s9+s4], $0x80, v4, vm0, $0xb8;
	[tilespmem:$0x18200] =	vst v63  }
0x65: {  	s24 =	simm.s32 $0xA200  }
0x66: {  	[tilespmem:s24], [sflag:$0x3] =	stream.indirect_vreg.gather [hbm4b:s1+s4], $0x80, v3, vm0, $0xb8;
	[tilespmem:$0x18200] =	vst v63  }
0x67: {  	s17 =	simm.s32 $0xAA00  }
0x68: {  	[tilespmem:s17], [sflag:$0x3] =	stream.indirect_vreg.gather [hbm4b:s7+s4], $0x80, v3, vm0, $0xb8;
	[tilespmem:$0x18200] =	vst v63  }
0x69: {  	s24 =	simm.s32 $0xB200  }
0x6a: {  	[tilespmem:s24], [sflag:$0x3] =	stream.indirect_vreg.gather [hbm4b:s8+s4], $0x80, v3, vm0, $0xb8;
	[tilespmem:$0x18200] =	vst v63  }
0x6b: {  	s17 =	simm.s32 $0xBA00  }
0x6c: {  	[tilespmem:s17], [sflag:$0x3] =	stream.indirect_vreg.gather [hbm4b:s9+s4], $0x80, v3, vm0, $0xb8;
	[tilespmem:$0x18200] =	vst v63  }
0x6d: {  	v3 =	vld [tilespmem:$0x30];
	_ =	sdelay $0x4  }
0x6e: {  	v43 =	vshll.u32 v3, $0x3  }
0x6f: {  	v3 =	vand.u32 $0x7, v3;
	v4 =	vand.u32 $0xFFFFFFC0, v43  }
0x70: {  	v3 =	vor.u32 v3, v4  }
0x71: {  	v4 =	vperm.xlane v3, v0;
	_ =	sdelay $0x1  }
0x72: {  	v4 =	vadd.s32 v1, v4;
	_ =	sdelay $0x3  }
0x73: {  	s24 =	simm.s32 $0xC200  }
0x74: {  	[tilespmem:s24], [sflag:$0x4] =	stream.indirect_vreg.gather [hbm4b:s1+s4], $0x80, v4, vm0, $0xb8;
	[tilespmem:$0x18200] =	vst v63  }
0x75: {  	s17 =	simm.s32 $0xCA00;
	v3 =	vperm.xlane v3, v2  }
0x76: {  	[tilespmem:s17], [sflag:$0x4] =	stream.indirect_vreg.gather [hbm4b:s7+s4], $0x80, v4, vm0, $0xb8;
	[tilespmem:$0x18200] =	vst v63  }
0x77: {  	s2 =	simm.s32 $0xD200;
	v3 =	vadd.s32 v1, v3  }
0x78: {  	[tilespmem:s2], [sflag:$0x4] =	stream.indirect_vreg.gather [hbm4b:s8+s4], $0x80, v4, vm0, $0xb8;
	[tilespmem:$0x18200] =	vst v63  }
0x79: {  	s24 =	simm.s32 $0xDA00  }
0x7a: {  	[tilespmem:s24], [sflag:$0x4] =	stream.indirect_vreg.gather [hbm4b:s9+s4], $0x80, v4, vm0, $0xb8;
	[tilespmem:$0x18200] =	vst v63  }
0x7b: {  	s2 =	simm.s32 $0xE200  }
0x7c: {  	[tilespmem:s2], [sflag:$0x4] =	stream.indirect_vreg.gather [hbm4b:s1+s4], $0x80, v3, vm0, $0xb8;
	[tilespmem:$0x18200] =	vst v63  }
0x7d: {  	s24 =	simm.s32 $0xEA00  }
0x7e: {  	[tilespmem:s24], [sflag:$0x4] =	stream.indirect_vreg.gather [hbm4b:s7+s4], $0x80, v3, vm0, $0xb8;
	[tilespmem:$0x18200] =	vst v63  }
0x7f: {  	s2 =	simm.s32 $0xF200  }
0x80: {  	[tilespmem:s2], [sflag:$0x4] =	stream.indirect_vreg.gather [hbm4b:s8+s4], $0x80, v3, vm0, $0xb8;
	[tilespmem:$0x18200] =	vst v63  }
0x81: {  	s24 =	simm.s32 $0xFA00  }
0x82: {  	[tilespmem:s24], [sflag:$0x4] =	stream.indirect_vreg.gather [hbm4b:s9+s4], $0x80, v3, vm0, $0xb8;
	[tilespmem:$0x18200] =	vst v63  }
0x83: {  	v3 =	vld [tilespmem:$0x40];
	_ =	sdelay $0x4  }
0x84: {  	v44 =	vshll.u32 v3, $0x3  }
0x85: {  	v3 =	vand.u32 $0x7, v3;
	v4 =	vand.u32 $0xFFFFFFC0, v44  }
0x86: {  	v3 =	vor.u32 v3, v4  }
0x87: {  	v4 =	vperm.xlane v3, v0;
	_ =	sdelay $0x1  }
0x88: {  	v4 =	vadd.s32 v1, v4;
	_ =	sdelay $0x3  }
0x89: {  	s17 =	simm.s32 $0x10200  }
0x8a: {  	[tilespmem:s17], [sflag:$0x5] =	stream.indirect_vreg.gather [hbm4b:s1+s4], $0x80, v4, vm0, $0xb8;
	[tilespmem:$0x18200] =	vst v63  }
0x8b: {  	s2 =	simm.s32 $0x10A00;
	v3 =	vperm.xlane v3, v2  }
0x8c: {  	[tilespmem:s2], [sflag:$0x5] =	stream.indirect_vreg.gather [hbm4b:s7+s4], $0x80, v4, vm0, $0xb8;
	[tilespmem:$0x18200] =	vst v63  }
0x8d: {  	v3 =	vadd.s32 v1, v3;
	s2 =	simm.s32 $0x11200  }
0x8e: {  	[tilespmem:s2], [sflag:$0x5] =	stream.indirect_vreg.gather [hbm4b:s8+s4], $0x80, v4, vm0, $0xb8;
	[tilespmem:$0x18200] =	vst v63  }
0x8f: {  	s2 =	simm.s32 $0x11A00  }
0x90: {  	[tilespmem:s2], [sflag:$0x5] =	stream.indirect_vreg.gather [hbm4b:s9+s4], $0x80, v4, vm0, $0xb8;
	[tilespmem:$0x18200] =	vst v63  }
0x91: {  	s2 =	simm.s32 $0x12200  }
0x92: {  	[tilespmem:s2], [sflag:$0x5] =	stream.indirect_vreg.gather [hbm4b:s1+s4], $0x80, v3, vm0, $0xb8;
	[tilespmem:$0x18200] =	vst v63  }
0x93: {  	s2 =	simm.s32 $0x12A00  }
0x94: {  	[tilespmem:s2], [sflag:$0x5] =	stream.indirect_vreg.gather [hbm4b:s7+s4], $0x80, v3, vm0, $0xb8;
	[tilespmem:$0x18200] =	vst v63  }
0x95: {  	s2 =	simm.s32 $0x13200  }
0x96: {  	[tilespmem:s2], [sflag:$0x5] =	stream.indirect_vreg.gather [hbm4b:s8+s4], $0x80, v3, vm0, $0xb8;
	[tilespmem:$0x18200] =	vst v63  }
0x97: {  	s2 =	simm.s32 $0x13A00  }
0x98: {  	[tilespmem:s2], [sflag:$0x5] =	stream.indirect_vreg.gather [hbm4b:s9+s4], $0x80, v3, vm0, $0xb8;
	[tilespmem:$0x18200] =	vst v63  }
0x99: {  	v3 =	vld [tilespmem:$0x50];
	_ =	sdelay $0x4  }
0x9a: {  	v45 =	vshll.u32 v3, $0x3  }
0x9b: {  	v3 =	vand.u32 $0x7, v3;
	v4 =	vand.u32 $0xFFFFFFC0, v45  }
0x9c: {  	v3 =	vor.u32 v3, v4  }
0x9d: {  	v4 =	vperm.xlane v3, v0;
	_ =	sdelay $0x1  }
0x9e: {  	v4 =	vadd.s32 v1, v4;
	_ =	sdelay $0x4  }
0x9f: {  	[tilespmem:s14], [sflag:$0x6] =	stream.indirect_vreg.gather [hbm4b:s1+s4], $0x80, v4, vm0, $0xb8;
	[tilespmem:$0x18200] =	vst v63  }
0xa0: {  	s2 =	simm.s32 $0x14A00;
	v3 =	vperm.xlane v3, v2  }
0xa1: {  	[tilespmem:s2], [sflag:$0x6] =	stream.indirect_vreg.gather [hbm4b:s7+s4], $0x80, v4, vm0, $0xb8;
	[tilespmem:$0x18200] =	vst v63  }
0xa2: {  	v3 =	vadd.s32 v1, v3;
	s2 =	simm.s32 $0x15200  }
0xa3: {  	[tilespmem:s2], [sflag:$0x6] =	stream.indirect_vreg.gather [hbm4b:s8+s4], $0x80, v4, vm0, $0xb8;
	[tilespmem:$0x18200] =	vst v63  }
0xa4: {  	s2 =	simm.s32 $0x15A00  }
0xa5: {  	[tilespmem:s2], [sflag:$0x6] =	stream.indirect_vreg.gather [hbm4b:s9+s4], $0x80, v4, vm0, $0xb8;
	[tilespmem:$0x18200] =	vst v63  }
0xa6: {  	s2 =	simm.s32 $0x16200  }
0xa7: {  	[tilespmem:s2], [sflag:$0x6] =	stream.indirect_vreg.gather [hbm4b:s1+s4], $0x80, v3, vm0, $0xb8;
	[tilespmem:$0x18200] =	vst v63  }
0xa8: {  	s2 =	simm.s32 $0x16A00  }
0xa9: {  	[tilespmem:s2], [sflag:$0x6] =	stream.indirect_vreg.gather [hbm4b:s7+s4], $0x80, v3, vm0, $0xb8;
	[tilespmem:$0x18200] =	vst v63  }
0xaa: {  	s2 =	simm.s32 $0x17200  }
0xab: {  	[tilespmem:s2], [sflag:$0x6] =	stream.indirect_vreg.gather [hbm4b:s8+s4], $0x80, v3, vm0, $0xb8;
	[tilespmem:$0x18200] =	vst v63  }
0xac: {  	s2 =	simm.s32 $0x17A00  }
0xad: {  	[tilespmem:s2], [sflag:$0x6] =	stream.indirect_vreg.gather [hbm4b:s9+s4], $0x80, v3, vm0, $0xb8;
	[tilespmem:$0x18200] =	vst v63  }
0xae: {  	_ =	swait.ge [sflag:s26], $0x4000  }
0xaf: {  	[sflag:s26] =	ssyncset.done $0x0  }
0xb0: {  	s2 =	simm.s32 $0x200;
	s24 =	rddreg [dreg:$0x1d];
	[sflag:s26] =	ssyncadd.s32 $0xFFFFC000  }
0xb1: {  	[hbm4b:s24+s4] =	stream.linear.scatter [tilespmem:s2], [sflag:$0x7], $0x4000, $0x38;
	[tilespmem:$0x18200] =	vst v63  }
0xb2: {  	_ =	swait.ge [sflag:s30], $0x4000  }
0xb3: {  	[sflag:s30] =	ssyncset.done $0x0  }
0xb4: {  	[sflag:s30] =	ssyncadd.s32 $0xFFFFC000  }
0xb5: {  	v3 =	vld [tilespmem:$0x60];
	_ =	sdelay $0x4  }
0xb6: {  	v46 =	vshll.u32 v3, $0x3  }
0xb7: {  	v3 =	vand.u32 $0x7, v3;
	v4 =	vand.u32 $0xFFFFFFC0, v46  }
0xb8: {  	v3 =	vor.u32 v3, v4  }
0xb9: {  	v4 =	vperm.xlane v3, v0;
	_ =	sdelay $0x1  }
0xba: {  	v4 =	vadd.s32 v1, v4;
	_ =	sdelay $0x4  }
0xbb: {  	[tilespmem:s2], [sflag:$0x1] =	stream.indirect_vreg.gather [hbm4b:s1+s4], $0x80, v4, vm0, $0xb8;
	[tilespmem:$0x18200] =	vst v63  }
0xbc: {  	s23 =	simm.s32 $0xA00;
	v3 =	vperm.xlane v3, v2  }
0xbd: {  	[tilespmem:s23], [sflag:$0x1] =	stream.indirect_vreg.gather [hbm4b:s7+s4], $0x80, v4, vm0, $0xb8;
	[tilespmem:$0x18200] =	vst v63  }
0xbe: {  	v3 =	vadd.s32 v1, v3;
	s23 =	simm.s32 $0x1200  }
0xbf: {  	[tilespmem:s23], [sflag:$0x1] =	stream.indirect_vreg.gather [hbm4b:s8+s4], $0x80, v4, vm0, $0xb8;
	[tilespmem:$0x18200] =	vst v63  }
0xc0: {  	s24 =	simm.s32 $0x1A00  }
0xc1: {  	[tilespmem:s24], [sflag:$0x1] =	stream.indirect_vreg.gather [hbm4b:s9+s4], $0x80, v4, vm0, $0xb8;
	[tilespmem:$0x18200] =	vst v63  }
0xc2: {  	s19 =	simm.s32 $0x2200  }
0xc3: {  	[tilespmem:s19], [sflag:$0x1] =	stream.indirect_vreg.gather [hbm4b:s1+s4], $0x80, v3, vm0, $0xb8;
	[tilespmem:$0x18200] =	vst v63  }
0xc4: {  	s28 =	simm.s32 $0x2A00  }
0xc5: {  	[tilespmem:s28], [sflag:$0x1] =	stream.indirect_vreg.gather [hbm4b:s7+s4], $0x80, v3, vm0, $0xb8;
	[tilespmem:$0x18200] =	vst v63  }
0xc6: {  	s29 =	simm.s32 $0x3200  }
0xc7: {  	[tilespmem:s29], [sflag:$0x1] =	stream.indirect_vreg.gather [hbm4b:s8+s4], $0x80, v3, vm0, $0xb8;
	[tilespmem:$0x18200] =	vst v63  }
0xc8: {  	s25 =	simm.s32 $0x3A00  }
0xc9: {  	[tilespmem:s25], [sflag:$0x1] =	stream.indirect_vreg.gather [hbm4b:s9+s4], $0x80, v3, vm0, $0xb8;
	[tilespmem:$0x18200] =	vst v63  }
0xca: {  	_ =	swait.ge [sflag:s31], $0x4000  }
0xcb: {  	[sflag:s31] =	ssyncset.done $0x0  }
0xcc: {  	s29 =	simm.s32 $0x4200;
	s28 =	rddreg [dreg:$0x5];
	[sflag:s31] =	ssyncadd.s32 $0xFFFFC000  }
0xcd: {  	[hbm4b:s28+s4] =	stream.linear.scatter [tilespmem:s29], [sflag:$0x8], $0x4000, $0x38;
	[tilespmem:$0x18200] =	vst v63  }
0xce: {  	_ =	swait.ge [sflag:s0], $0x4000  }
0xcf: {  	[sflag:s0] =	ssyncset.done $0x0  }
0xd0: {  	[sflag:s0] =	ssyncadd.s32 $0xFFFFC000  }
0xd1: {  	v3 =	vld [tilespmem:$0x70];
	_ =	sdelay $0x4  }
0xd2: {  	v47 =	vshll.u32 v3, $0x3  }
0xd3: {  	v3 =	vand.u32 $0x7, v3;
	v4 =	vand.u32 $0xFFFFFFC0, v47  }
0xd4: {  	v3 =	vor.u32 v3, v4  }
0xd5: {  	v4 =	vperm.xlane v3, v0;
	_ =	sdelay $0x1  }
0xd6: {  	v4 =	vadd.s32 v1, v4;
	_ =	sdelay $0x4  }
0xd7: {  	[tilespmem:s29], [sflag:$0x2] =	stream.indirect_vreg.gather [hbm4b:s1+s4], $0x80, v4, vm0, $0xb8;
	[tilespmem:$0x18200] =	vst v63  }
0xd8: {  	s19 =	simm.s32 $0x4A00;
	v3 =	vperm.xlane v3, v2  }
0xd9: {  	[tilespmem:s19], [sflag:$0x2] =	stream.indirect_vreg.gather [hbm4b:s7+s4], $0x80, v4, vm0, $0xb8;
	[tilespmem:$0x18200] =	vst v63  }
0xda: {  	s23 =	simm.s32 $0x5200;
	v3 =	vadd.s32 v1, v3  }
0xdb: {  	[tilespmem:s23], [sflag:$0x2] =	stream.indirect_vreg.gather [hbm4b:s8+s4], $0x80, v4, vm0, $0xb8;
	[tilespmem:$0x18200] =	vst v63  }
0xdc: {  	s24 =	simm.s32 $0x5A00  }
0xdd: {  	[tilespmem:s24], [sflag:$0x2] =	stream.indirect_vreg.gather [hbm4b:s9+s4], $0x80, v4, vm0, $0xb8;
	[tilespmem:$0x18200] =	vst v63  }
0xde: {  	s25 =	simm.s32 $0x6200  }
0xdf: {  	[tilespmem:s25], [sflag:$0x2] =	stream.indirect_vreg.gather [hbm4b:s1+s4], $0x80, v3, vm0, $0xb8;
	[tilespmem:$0x18200] =	vst v63  }
0xe0: {  	s28 =	simm.s32 $0x6A00  }
0xe1: {  	[tilespmem:s28], [sflag:$0x2] =	stream.indirect_vreg.gather [hbm4b:s7+s4], $0x80, v3, vm0, $0xb8;
	[tilespmem:$0x18200] =	vst v63  }
0xe2: {  	s29 =	simm.s32 $0x7200  }
0xe3: {  	[tilespmem:s29], [sflag:$0x2] =	stream.indirect_vreg.gather [hbm4b:s8+s4], $0x80, v3, vm0, $0xb8;
	[tilespmem:$0x18200] =	vst v63  }
0xe4: {  	s19 =	simm.s32 $0x7A00  }
0xe5: {  	[tilespmem:s19], [sflag:$0x2] =	stream.indirect_vreg.gather [hbm4b:s9+s4], $0x80, v3, vm0, $0xb8;
	[tilespmem:$0x18200] =	vst v63  }
0xe6: {  	_ =	swait.ge [sflag:s15], $0x4000  }
0xe7: {  	[sflag:s15] =	ssyncset.done $0x0  }
0xe8: {  	s25 =	simm.s32 $0x8200;
	s23 =	rddreg [dreg:$0x6];
	[sflag:s15] =	ssyncadd.s32 $0xFFFFC000  }
0xe9: {  	[hbm4b:s23+s4] =	stream.linear.scatter [tilespmem:s25], [sflag:$0x9], $0x4000, $0x38;
	[tilespmem:$0x18200] =	vst v63  }
0xea: {  	_ =	swait.ge [sflag:s5], $0x4000  }
0xeb: {  	[sflag:s5] =	ssyncset.done $0x0  }
0xec: {  	[sflag:s5] =	ssyncadd.s32 $0xFFFFC000  }
0xed: {  	v3 =	vld [tilespmem:$0x80];
	_ =	sdelay $0x4  }
0xee: {  	v48 =	vshll.u32 v3, $0x3  }
0xef: {  	v3 =	vand.u32 $0x7, v3;
	v4 =	vand.u32 $0xFFFFFFC0, v48  }
0xf0: {  	v3 =	vor.u32 v3, v4  }
0xf1: {  	v4 =	vperm.xlane v3, v0;
	_ =	sdelay $0x1  }
0xf2: {  	v4 =	vadd.s32 v1, v4;
	_ =	sdelay $0x4  }
0xf3: {  	[tilespmem:s25], [sflag:$0x3] =	stream.indirect_vreg.gather [hbm4b:s3+s4], $0x80, v4, vm0, $0xb8;
	[tilespmem:$0x18200] =	vst v63  }
0xf4: {  	s28 =	simm.s32 $0x8A00;
	v3 =	vperm.xlane v3, v2  }
0xf5: {  	[tilespmem:s28], [sflag:$0x3] =	stream.indirect_vreg.gather [hbm4b:s10+s4], $0x80, v4, vm0, $0xb8;
	[tilespmem:$0x18200] =	vst v63  }
0xf6: {  	s29 =	simm.s32 $0x9200;
	v3 =	vadd.s32 v1, v3  }
0xf7: {  	[tilespmem:s29], [sflag:$0x3] =	stream.indirect_vreg.gather [hbm4b:s11+s4], $0x80, v4, vm0, $0xb8;
	[tilespmem:$0x18200] =	vst v63  }
0xf8: {  	s19 =	simm.s32 $0x9A00  }
0xf9: {  	[tilespmem:s19], [sflag:$0x3] =	stream.indirect_vreg.gather [hbm4b:s12+s4], $0x80, v4, vm0, $0xb8;
	[tilespmem:$0x18200] =	vst v63  }
0xfa: {  	s23 =	simm.s32 $0xA200  }
0xfb: {  	[tilespmem:s23], [sflag:$0x3] =	stream.indirect_vreg.gather [hbm4b:s3+s4], $0x80, v3, vm0, $0xb8;
	[tilespmem:$0x18200] =	vst v63  }
0xfc: {  	s24 =	simm.s32 $0xAA00  }
0xfd: {  	[tilespmem:s24], [sflag:$0x3] =	stream.indirect_vreg.gather [hbm4b:s10+s4], $0x80, v3, vm0, $0xb8;
	[tilespmem:$0x18200] =	vst v63  }
0xfe: {  	s23 =	simm.s32 $0xB200  }
0xff: {  	[tilespmem:s23], [sflag:$0x3] =	stream.indirect_vreg.gather [hbm4b:s11+s4], $0x80, v3, vm0, $0xb8;
	[tilespmem:$0x18200] =	vst v63  }
0x100: {  	s25 =	simm.s32 $0xBA00  }
0x101: {  	[tilespmem:s25], [sflag:$0x3] =	stream.indirect_vreg.gather [hbm4b:s12+s4], $0x80, v3, vm0, $0xb8;
	[tilespmem:$0x18200] =	vst v63  }
0x102: {  	_ =	swait.ge [sflag:s6], $0x4000  }
0x103: {  	[sflag:s6] =	ssyncset.done $0x0  }
0x104: {  	s29 =	simm.s32 $0xC200;
	s28 =	rddreg [dreg:$0x7];
	[sflag:s6] =	ssyncadd.s32 $0xFFFFC000  }
0x105: {  	[hbm4b:s28+s4] =	stream.linear.scatter [tilespmem:s29], [sflag:$0xA], $0x4000, $0x38;
	[tilespmem:$0x18200] =	vst v63  }
0x106: {  	_ =	swait.ge [sflag:s16], $0x4000  }
0x107: {  	[sflag:s16] =	ssyncset.done $0x0  }
0x108: {  	[sflag:s16] =	ssyncadd.s32 $0xFFFFC000  }
0x109: {  	v3 =	vld [tilespmem:$0x90];
	_ =	sdelay $0x4  }
0x10a: {  	v49 =	vshll.u32 v3, $0x3  }
0x10b: {  	v3 =	vand.u32 $0x7, v3;
	v4 =	vand.u32 $0xFFFFFFC0, v49  }
0x10c: {  	v3 =	vor.u32 v3, v4  }
0x10d: {  	v4 =	vperm.xlane v3, v0;
	_ =	sdelay $0x1  }
0x10e: {  	v4 =	vadd.s32 v1, v4;
	_ =	sdelay $0x4  }
0x10f: {  	[tilespmem:s29], [sflag:$0x4] =	stream.indirect_vreg.gather [hbm4b:s3+s4], $0x80, v4, vm0, $0xb8;
	[tilespmem:$0x18200] =	vst v63  }
0x110: {  	s19 =	simm.s32 $0xCA00;
	v3 =	vperm.xlane v3, v2  }
0x111: {  	[tilespmem:s19], [sflag:$0x4] =	stream.indirect_vreg.gather [hbm4b:s10+s4], $0x80, v4, vm0, $0xb8;
	[tilespmem:$0x18200] =	vst v63  }
0x112: {  	s24 =	simm.s32 $0xD200;
	v3 =	vadd.s32 v1, v3  }
0x113: {  	[tilespmem:s24], [sflag:$0x4] =	stream.indirect_vreg.gather [hbm4b:s11+s4], $0x80, v4, vm0, $0xb8;
	[tilespmem:$0x18200] =	vst v63  }
0x114: {  	s19 =	simm.s32 $0xDA00  }
0x115: {  	[tilespmem:s19], [sflag:$0x4] =	stream.indirect_vreg.gather [hbm4b:s12+s4], $0x80, v4, vm0, $0xb8;
	[tilespmem:$0x18200] =	vst v63  }
0x116: {  	s2 =	simm.s32 $0xE200  }
0x117: {  	[tilespmem:s2], [sflag:$0x4] =	stream.indirect_vreg.gather [hbm4b:s3+s4], $0x80, v3, vm0, $0xb8;
	[tilespmem:$0x18200] =	vst v63  }
0x118: {  	s25 =	simm.s32 $0xEA00  }
0x119: {  	[tilespmem:s25], [sflag:$0x4] =	stream.indirect_vreg.gather [hbm4b:s10+s4], $0x80, v3, vm0, $0xb8;
	[tilespmem:$0x18200] =	vst v63  }
0x11a: {  	s25 =	simm.s32 $0xF200  }
0x11b: {  	[tilespmem:s25], [sflag:$0x4] =	stream.indirect_vreg.gather [hbm4b:s11+s4], $0x80, v3, vm0, $0xb8;
	[tilespmem:$0x18200] =	vst v63  }
0x11c: {  	s29 =	simm.s32 $0xFA00  }
0x11d: {  	[tilespmem:s29], [sflag:$0x4] =	stream.indirect_vreg.gather [hbm4b:s12+s4], $0x80, v3, vm0, $0xb8;
	[tilespmem:$0x18200] =	vst v63  }
0x11e: {  	_ =	swait.ge [sflag:s18], $0x4000  }
0x11f: {  	[sflag:s18] =	ssyncset.done $0x0  }
0x120: {  	s28 =	rddreg [dreg:$0x8];
	[sflag:s18] =	ssyncadd.s32 $0xFFFFC000  }
0x121: {  	[hbm4b:s28+s4] =	stream.linear.scatter [tilespmem:s17], [sflag:$0xB], $0x4000, $0x38;
	[tilespmem:$0x18200] =	vst v63  }
0x122: {  	_ =	swait.ge [sflag:s20], $0x4000  }
0x123: {  	[sflag:s20] =	ssyncset.done $0x0  }
0x124: {  	[sflag:s20] =	ssyncadd.s32 $0xFFFFC000  }
0x125: {  	v3 =	vld [tilespmem:$0xA0];
	_ =	sdelay $0x4  }
0x126: {  	v50 =	vshll.u32 v3, $0x3  }
0x127: {  	v3 =	vand.u32 $0x7, v3;
	v4 =	vand.u32 $0xFFFFFFC0, v50  }
0x128: {  	v3 =	vor.u32 v3, v4  }
0x129: {  	v4 =	vperm.xlane v3, v0;
	_ =	sdelay $0x1  }
0x12a: {  	v4 =	vadd.s32 v1, v4;
	_ =	sdelay $0x4  }
0x12b: {  	[tilespmem:s17], [sflag:$0x5] =	stream.indirect_vreg.gather [hbm4b:s3+s4], $0x80, v4, vm0, $0xb8;
	[tilespmem:$0x18200] =	vst v63  }
0x12c: {  	s28 =	simm.s32 $0x10A00;
	v3 =	vperm.xlane v3, v2  }
0x12d: {  	[tilespmem:s28], [sflag:$0x5] =	stream.indirect_vreg.gather [hbm4b:s10+s4], $0x80, v4, vm0, $0xb8;
	[tilespmem:$0x18200] =	vst v63  }
0x12e: {  	v3 =	vadd.s32 v1, v3;
	s28 =	simm.s32 $0x11200  }
0x12f: {  	[tilespmem:s28], [sflag:$0x5] =	stream.indirect_vreg.gather [hbm4b:s11+s4], $0x80, v4, vm0, $0xb8;
	[tilespmem:$0x18200] =	vst v63  }
0x130: {  	s28 =	simm.s32 $0x11A00  }
0x131: {  	[tilespmem:s28], [sflag:$0x5] =	stream.indirect_vreg.gather [hbm4b:s12+s4], $0x80, v4, vm0, $0xb8;
	[tilespmem:$0x18200] =	vst v63  }
0x132: {  	s28 =	simm.s32 $0x12200  }
0x133: {  	[tilespmem:s28], [sflag:$0x5] =	stream.indirect_vreg.gather [hbm4b:s3+s4], $0x80, v3, vm0, $0xb8;
	[tilespmem:$0x18200] =	vst v63  }
0x134: {  	s28 =	simm.s32 $0x12A00  }
0x135: {  	[tilespmem:s28], [sflag:$0x5] =	stream.indirect_vreg.gather [hbm4b:s10+s4], $0x80, v3, vm0, $0xb8;
	[tilespmem:$0x18200] =	vst v63  }
0x136: {  	s28 =	simm.s32 $0x13200  }
0x137: {  	[tilespmem:s28], [sflag:$0x5] =	stream.indirect_vreg.gather [hbm4b:s11+s4], $0x80, v3, vm0, $0xb8;
	[tilespmem:$0x18200] =	vst v63  }
0x138: {  	s28 =	simm.s32 $0x13A00  }
0x139: {  	[tilespmem:s28], [sflag:$0x5] =	stream.indirect_vreg.gather [hbm4b:s12+s4], $0x80, v3, vm0, $0xb8;
	[tilespmem:$0x18200] =	vst v63  }
0x13a: {  	_ =	swait.ge [sflag:s21], $0x4000  }
0x13b: {  	[sflag:s21] =	ssyncset.done $0x0  }
0x13c: {  	s28 =	rddreg [dreg:$0x9];
	[sflag:s21] =	ssyncadd.s32 $0xFFFFC000  }
0x13d: {  	[hbm4b:s28+s4] =	stream.linear.scatter [tilespmem:s14], [sflag:$0xC], $0x4000, $0x38;
	[tilespmem:$0x18200] =	vst v63  }
0x13e: {  	_ =	swait.ge [sflag:s22], $0x4000  }
0x13f: {  	[sflag:s22] =	ssyncset.done $0x0  }
0x140: {  	[sflag:s22] =	ssyncadd.s32 $0xFFFFC000  }
0x141: {  	v3 =	vld [tilespmem:$0xB0];
	_ =	sdelay $0x4  }
0x142: {  	v51 =	vshll.u32 v3, $0x3  }
0x143: {  	v3 =	vand.u32 $0x7, v3;
	v4 =	vand.u32 $0xFFFFFFC0, v51  }
0x144: {  	v3 =	vor.u32 v3, v4  }
0x145: {  	v4 =	vperm.xlane v3, v0;
	_ =	sdelay $0x1  }
0x146: {  	v4 =	vadd.s32 v1, v4;
	_ =	sdelay $0x4  }
0x147: {  	[tilespmem:s14], [sflag:$0x6] =	stream.indirect_vreg.gather [hbm4b:s3+s4], $0x80, v4, vm0, $0xb8;
	[tilespmem:$0x18200] =	vst v63  }
0x148: {  	s28 =	simm.s32 $0x14A00;
	v3 =	vperm.xlane v3, v2  }
0x149: {  	[tilespmem:s28], [sflag:$0x6] =	stream.indirect_vreg.gather [hbm4b:s10+s4], $0x80, v4, vm0, $0xb8;
	[tilespmem:$0x18200] =	vst v63  }
0x14a: {  	v3 =	vadd.s32 v1, v3;
	s28 =	simm.s32 $0x15200  }
0x14b: {  	[tilespmem:s28], [sflag:$0x6] =	stream.indirect_vreg.gather [hbm4b:s11+s4], $0x80, v4, vm0, $0xb8;
	[tilespmem:$0x18200] =	vst v63  }
0x14c: {  	s28 =	simm.s32 $0x15A00  }
0x14d: {  	[tilespmem:s28], [sflag:$0x6] =	stream.indirect_vreg.gather [hbm4b:s12+s4], $0x80, v4, vm0, $0xb8;
	[tilespmem:$0x18200] =	vst v63  }
0x14e: {  	s28 =	simm.s32 $0x16200  }
0x14f: {  	[tilespmem:s28], [sflag:$0x6] =	stream.indirect_vreg.gather [hbm4b:s3+s4], $0x80, v3, vm0, $0xb8;
	[tilespmem:$0x18200] =	vst v63  }
0x150: {  	s28 =	simm.s32 $0x16A00  }
0x151: {  	[tilespmem:s28], [sflag:$0x6] =	stream.indirect_vreg.gather [hbm4b:s10+s4], $0x80, v3, vm0, $0xb8;
	[tilespmem:$0x18200] =	vst v63  }
0x152: {  	s28 =	simm.s32 $0x17200  }
0x153: {  	[tilespmem:s28], [sflag:$0x6] =	stream.indirect_vreg.gather [hbm4b:s11+s4], $0x80, v3, vm0, $0xb8;
	[tilespmem:$0x18200] =	vst v63  }
0x154: {  	s28 =	simm.s32 $0x17A00  }
0x155: {  	[tilespmem:s28], [sflag:$0x6] =	stream.indirect_vreg.gather [hbm4b:s12+s4], $0x80, v3, vm0, $0xb8;
	[tilespmem:$0x18200] =	vst v63  }
0x156: {  	_ =	swait.ge [sflag:s26], $0x4000  }
0x157: {  	[sflag:s26] =	ssyncset.done $0x0  }
0x158: {  	s28 =	simm.s32 $0x200;
	s24 =	rddreg [dreg:$0xa];
	[sflag:s26] =	ssyncadd.s32 $0xFFFFC000  }
0x159: {  	[hbm4b:s24+s4] =	stream.linear.scatter [tilespmem:s28], [sflag:$0x7], $0x4000, $0x38;
	[tilespmem:$0x18200] =	vst v63  }
0x15a: {  	_ =	swait.ge [sflag:s30], $0x4000  }
0x15b: {  	[sflag:s30] =	ssyncset.done $0x0  }
0x15c: {  	[sflag:s30] =	ssyncadd.s32 $0xFFFFC000  }
0x15d: {  	v3 =	vld [tilespmem:$0xC0];
	_ =	sdelay $0x4  }
0x15e: {  	v52 =	vshll.u32 v3, $0x3  }
0x15f: {  	v3 =	vand.u32 $0x7, v3;
	v4 =	vand.u32 $0xFFFFFFC0, v52  }
0x160: {  	v3 =	vor.u32 v3, v4  }
0x161: {  	v4 =	vperm.xlane v3, v0;
	_ =	sdelay $0x1  }
0x162: {  	v4 =	vadd.s32 v1, v4;
	_ =	sdelay $0x4  }
0x163: {  	[tilespmem:s28], [sflag:$0x1] =	stream.indirect_vreg.gather [hbm4b:s3+s4], $0x80, v4, vm0, $0xb8;
	[tilespmem:$0x18200] =	vst v63  }
0x164: {  	v3 =	vperm.xlane v3, v2;
	s28 =	simm.s32 $0xA00  }
0x165: {  	[tilespmem:s28], [sflag:$0x1] =	stream.indirect_vreg.gather [hbm4b:s10+s4], $0x80, v4, vm0, $0xb8;
	[tilespmem:$0x18200] =	vst v63  }
0x166: {  	v3 =	vadd.s32 v1, v3;
	s28 =	simm.s32 $0x1200  }
0x167: {  	[tilespmem:s28], [sflag:$0x1] =	stream.indirect_vreg.gather [hbm4b:s11+s4], $0x80, v4, vm0, $0xb8;
	[tilespmem:$0x18200] =	vst v63  }
0x168: {  	s28 =	simm.s32 $0x1A00  }
0x169: {  	[tilespmem:s28], [sflag:$0x1] =	stream.indirect_vreg.gather [hbm4b:s12+s4], $0x80, v4, vm0, $0xb8;
	[tilespmem:$0x18200] =	vst v63  }
0x16a: {  	s28 =	simm.s32 $0x2200  }
0x16b: {  	[tilespmem:s28], [sflag:$0x1] =	stream.indirect_vreg.gather [hbm4b:s3+s4], $0x80, v3, vm0, $0xb8;
	[tilespmem:$0x18200] =	vst v63  }
0x16c: {  	s28 =	simm.s32 $0x2A00  }
0x16d: {  	[tilespmem:s28], [sflag:$0x1] =	stream.indirect_vreg.gather [hbm4b:s10+s4], $0x80, v3, vm0, $0xb8;
	[tilespmem:$0x18200] =	vst v63  }
0x16e: {  	s28 =	simm.s32 $0x3200  }
0x16f: {  	[tilespmem:s28], [sflag:$0x1] =	stream.indirect_vreg.gather [hbm4b:s11+s4], $0x80, v3, vm0, $0xb8;
	[tilespmem:$0x18200] =	vst v63  }
0x170: {  	s28 =	simm.s32 $0x3A00  }
0x171: {  	[tilespmem:s28], [sflag:$0x1] =	stream.indirect_vreg.gather [hbm4b:s12+s4], $0x80, v3, vm0, $0xb8;
	[tilespmem:$0x18200] =	vst v63  }
0x172: {  	_ =	swait.ge [sflag:s31], $0x4000  }
0x173: {  	[sflag:s31] =	ssyncset.done $0x0  }
0x174: {  	s28 =	simm.s32 $0x4200;
	s24 =	rddreg [dreg:$0xb];
	[sflag:s31] =	ssyncadd.s32 $0xFFFFC000  }
0x175: {  	[hbm4b:s24+s4] =	stream.linear.scatter [tilespmem:s28], [sflag:$0x8], $0x4000, $0x38;
	[tilespmem:$0x18200] =	vst v63  }
0x176: {  	_ =	swait.ge [sflag:s0], $0x4000  }
0x177: {  	[sflag:s0] =	ssyncset.done $0x0  }
0x178: {  	[sflag:s0] =	ssyncadd.s32 $0xFFFFC000  }
0x179: {  	v3 =	vld [tilespmem:$0xD0];
	_ =	sdelay $0x4  }
0x17a: {  	v53 =	vshll.u32 v3, $0x3  }
0x17b: {  	v3 =	vand.u32 $0x7, v3;
	v4 =	vand.u32 $0xFFFFFFC0, v53  }
0x17c: {  	v3 =	vor.u32 v3, v4  }
0x17d: {  	v4 =	vperm.xlane v3, v0;
	_ =	sdelay $0x1  }
0x17e: {  	v4 =	vadd.s32 v1, v4;
	_ =	sdelay $0x4  }
0x17f: {  	[tilespmem:s28], [sflag:$0x2] =	stream.indirect_vreg.gather [hbm4b:s3+s4], $0x80, v4, vm0, $0xb8;
	[tilespmem:$0x18200] =	vst v63  }
0x180: {  	v3 =	vperm.xlane v3, v2;
	s28 =	simm.s32 $0x4A00  }
0x181: {  	[tilespmem:s28], [sflag:$0x2] =	stream.indirect_vreg.gather [hbm4b:s10+s4], $0x80, v4, vm0, $0xb8;
	[tilespmem:$0x18200] =	vst v63  }
0x182: {  	v3 =	vadd.s32 v1, v3;
	s28 =	simm.s32 $0x5200  }
0x183: {  	[tilespmem:s28], [sflag:$0x2] =	stream.indirect_vreg.gather [hbm4b:s11+s4], $0x80, v4, vm0, $0xb8;
	[tilespmem:$0x18200] =	vst v63  }
0x184: {  	s28 =	simm.s32 $0x5A00  }
0x185: {  	[tilespmem:s28], [sflag:$0x2] =	stream.indirect_vreg.gather [hbm4b:s12+s4], $0x80, v4, vm0, $0xb8;
	[tilespmem:$0x18200] =	vst v63  }
0x186: {  	s28 =	simm.s32 $0x6200  }
0x187: {  	[tilespmem:s28], [sflag:$0x2] =	stream.indirect_vreg.gather [hbm4b:s3+s4], $0x80, v3, vm0, $0xb8;
	[tilespmem:$0x18200] =	vst v63  }
0x188: {  	s28 =	simm.s32 $0x6A00  }
0x189: {  	[tilespmem:s28], [sflag:$0x2] =	stream.indirect_vreg.gather [hbm4b:s10+s4], $0x80, v3, vm0, $0xb8;
	[tilespmem:$0x18200] =	vst v63  }
0x18a: {  	s28 =	simm.s32 $0x7200  }
0x18b: {  	[tilespmem:s28], [sflag:$0x2] =	stream.indirect_vreg.gather [hbm4b:s11+s4], $0x80, v3, vm0, $0xb8;
	[tilespmem:$0x18200] =	vst v63  }
0x18c: {  	s28 =	simm.s32 $0x7A00  }
0x18d: {  	[tilespmem:s28], [sflag:$0x2] =	stream.indirect_vreg.gather [hbm4b:s12+s4], $0x80, v3, vm0, $0xb8;
	[tilespmem:$0x18200] =	vst v63  }
0x18e: {  	_ =	swait.ge [sflag:s15], $0x4000  }
0x18f: {  	[sflag:s15] =	ssyncset.done $0x0  }
0x190: {  	s28 =	simm.s32 $0x8200;
	s24 =	rddreg [dreg:$0xc];
	[sflag:s15] =	ssyncadd.s32 $0xFFFFC000  }
0x191: {  	[hbm4b:s24+s4] =	stream.linear.scatter [tilespmem:s28], [sflag:$0x9], $0x4000, $0x38;
	[tilespmem:$0x18200] =	vst v63  }
0x192: {  	_ =	swait.ge [sflag:s5], $0x4000  }
0x193: {  	[sflag:s5] =	ssyncset.done $0x0  }
0x194: {  	[sflag:s5] =	ssyncadd.s32 $0xFFFFC000  }
0x195: {  	v3 =	vld [tilespmem:$0xE0];
	_ =	sdelay $0x4  }
0x196: {  	v54 =	vshll.u32 v3, $0x3  }
0x197: {  	v3 =	vand.u32 $0x7, v3;
	v4 =	vand.u32 $0xFFFFFFC0, v54  }
0x198: {  	v3 =	vor.u32 v3, v4  }
0x199: {  	v4 =	vperm.xlane v3, v0;
	_ =	sdelay $0x1  }
0x19a: {  	v4 =	vadd.s32 v1, v4;
	_ =	sdelay $0x4  }
0x19b: {  	[tilespmem:s28], [sflag:$0x3] =	stream.indirect_vreg.gather [hbm4b:s3+s4], $0x80, v4, vm0, $0xb8;
	[tilespmem:$0x18200] =	vst v63  }
0x19c: {  	v3 =	vperm.xlane v3, v2;
	s28 =	simm.s32 $0x8A00  }
0x19d: {  	[tilespmem:s28], [sflag:$0x3] =	stream.indirect_vreg.gather [hbm4b:s10+s4], $0x80, v4, vm0, $0xb8;
	[tilespmem:$0x18200] =	vst v63  }
0x19e: {  	v3 =	vadd.s32 v1, v3;
	s28 =	simm.s32 $0x9200  }
0x19f: {  	[tilespmem:s28], [sflag:$0x3] =	stream.indirect_vreg.gather [hbm4b:s11+s4], $0x80, v4, vm0, $0xb8;
	[tilespmem:$0x18200] =	vst v63  }
0x1a0: {  	s28 =	simm.s32 $0x9A00  }
0x1a1: {  	[tilespmem:s28], [sflag:$0x3] =	stream.indirect_vreg.gather [hbm4b:s12+s4], $0x80, v4, vm0, $0xb8;
	[tilespmem:$0x18200] =	vst v63  }
0x1a2: {  	s28 =	simm.s32 $0xA200  }
0x1a3: {  	[tilespmem:s28], [sflag:$0x3] =	stream.indirect_vreg.gather [hbm4b:s3+s4], $0x80, v3, vm0, $0xb8;
	[tilespmem:$0x18200] =	vst v63  }
0x1a4: {  	s28 =	simm.s32 $0xAA00  }
0x1a5: {  	[tilespmem:s28], [sflag:$0x3] =	stream.indirect_vreg.gather [hbm4b:s10+s4], $0x80, v3, vm0, $0xb8;
	[tilespmem:$0x18200] =	vst v63  }
0x1a6: {  	_ = 	snop  }
0x1a7: {  	[tilespmem:s23], [sflag:$0x3] =	stream.indirect_vreg.gather [hbm4b:s11+s4], $0x80, v3, vm0, $0xb8;
	[tilespmem:$0x18200] =	vst v63  }
0x1a8: {  	s28 =	simm.s32 $0xBA00  }
0x1a9: {  	[tilespmem:s28], [sflag:$0x3] =	stream.indirect_vreg.gather [hbm4b:s12+s4], $0x80, v3, vm0, $0xb8;
	[tilespmem:$0x18200] =	vst v63  }
0x1aa: {  	_ =	swait.ge [sflag:s6], $0x4000  }
0x1ab: {  	[sflag:s6] =	ssyncset.done $0x0  }
0x1ac: {  	s28 =	simm.s32 $0xC200;
	s23 =	rddreg [dreg:$0xd];
	[sflag:s6] =	ssyncadd.s32 $0xFFFFC000  }
0x1ad: {  	[hbm4b:s23+s4] =	stream.linear.scatter [tilespmem:s28], [sflag:$0xA], $0x4000, $0x38;
	[tilespmem:$0x18200] =	vst v63  }
0x1ae: {  	_ =	swait.ge [sflag:s16], $0x4000  }
0x1af: {  	[sflag:s16] =	ssyncset.done $0x0  }
0x1b0: {  	[sflag:s16] =	ssyncadd.s32 $0xFFFFC000  }
0x1b1: {  	v3 =	vld [tilespmem:$0xF0];
	_ =	sdelay $0x4  }
0x1b2: {  	v55 =	vshll.u32 v3, $0x3  }
0x1b3: {  	v3 =	vand.u32 $0x7, v3;
	v4 =	vand.u32 $0xFFFFFFC0, v55  }
0x1b4: {  	v3 =	vor.u32 v3, v4  }
0x1b5: {  	v4 =	vperm.xlane v3, v0;
	_ =	sdelay $0x1  }
0x1b6: {  	v4 =	vadd.s32 v1, v4;
	_ =	sdelay $0x4  }
0x1b7: {  	[tilespmem:s28], [sflag:$0x4] =	stream.indirect_vreg.gather [hbm4b:s3+s4], $0x80, v4, vm0, $0xb8;
	[tilespmem:$0x18200] =	vst v63  }
0x1b8: {  	v3 =	vperm.xlane v3, v2;
	s28 =	simm.s32 $0xCA00  }
0x1b9: {  	[tilespmem:s28], [sflag:$0x4] =	stream.indirect_vreg.gather [hbm4b:s10+s4], $0x80, v4, vm0, $0xb8;
	[tilespmem:$0x18200] =	vst v63  }
0x1ba: {  	s24 =	simm.s32 $0xD200;
	v3 =	vadd.s32 v1, v3  }
0x1bb: {  	[tilespmem:s24], [sflag:$0x4] =	stream.indirect_vreg.gather [hbm4b:s11+s4], $0x80, v4, vm0, $0xb8;
	[tilespmem:$0x18200] =	vst v63  }
0x1bc: {  	_ = 	snop  }
0x1bd: {  	[tilespmem:s19], [sflag:$0x4] =	stream.indirect_vreg.gather [hbm4b:s12+s4], $0x80, v4, vm0, $0xb8;
	[tilespmem:$0x18200] =	vst v63  }
0x1be: {  	_ = 	snop  }
0x1bf: {  	[tilespmem:s2], [sflag:$0x4] =	stream.indirect_vreg.gather [hbm4b:s3+s4], $0x80, v3, vm0, $0xb8;
	[tilespmem:$0x18200] =	vst v63  }
0x1c0: {  	s28 =	simm.s32 $0xEA00  }
0x1c1: {  	[tilespmem:s28], [sflag:$0x4] =	stream.indirect_vreg.gather [hbm4b:s10+s4], $0x80, v3, vm0, $0xb8;
	[tilespmem:$0x18200] =	vst v63  }
0x1c2: {  	_ = 	snop  }
0x1c3: {  	[tilespmem:s25], [sflag:$0x4] =	stream.indirect_vreg.gather [hbm4b:s11+s4], $0x80, v3, vm0, $0xb8;
	[tilespmem:$0x18200] =	vst v63  }
0x1c4: {  	_ = 	snop  }
0x1c5: {  	[tilespmem:s29], [sflag:$0x4] =	stream.indirect_vreg.gather [hbm4b:s12+s4], $0x80, v3, vm0, $0xb8;
	[tilespmem:$0x18200] =	vst v63  }
0x1c6: {  	_ =	swait.ge [sflag:s18], $0x4000  }
0x1c7: {  	[sflag:s18] =	ssyncset.done $0x0  }
0x1c8: {  	s2 =	rddreg [dreg:$0xe];
	[sflag:s18] =	ssyncadd.s32 $0xFFFFC000  }
0x1c9: {  	[hbm4b:s2+s4] =	stream.linear.scatter [tilespmem:s17], [sflag:$0xB], $0x4000, $0x38;
	[tilespmem:$0x18200] =	vst v63  }
0x1ca: {  	_ =	swait.ge [sflag:s20], $0x4000  }
0x1cb: {  	[sflag:s20] =	ssyncset.done $0x0  }
0x1cc: {  	[sflag:s20] =	ssyncadd.s32 $0xFFFFC000  }
0x1cd: {  	v3 =	vld [tilespmem:$0x100];
	_ =	sdelay $0x4  }
0x1ce: {  	v56 =	vshll.u32 v3, $0x3  }
0x1cf: {  	v3 =	vand.u32 $0x7, v3;
	v4 =	vand.u32 $0xFFFFFFC0, v56  }
0x1d0: {  	v3 =	vor.u32 v3, v4  }
0x1d1: {  	v4 =	vperm.xlane v3, v0;
	_ =	sdelay $0x1  }
0x1d2: {  	v4 =	vadd.s32 v1, v4;
	_ =	sdelay $0x4  }
0x1d3: {  	[tilespmem:s17], [sflag:$0x5] =	stream.indirect_vreg.gather [hbm4b:s1+s4], $0x80, v4, vm0, $0xb8;
	[tilespmem:$0x18200] =	vst v63  }
0x1d4: {  	s19 =	simm.s32 $0x10A00;
	v3 =	vperm.xlane v3, v2  }
0x1d5: {  	[tilespmem:s19], [sflag:$0x5] =	stream.indirect_vreg.gather [hbm4b:s7+s4], $0x80, v4, vm0, $0xb8;
	[tilespmem:$0x18200] =	vst v63  }
0x1d6: {  	s23 =	simm.s32 $0x11200;
	v3 =	vadd.s32 v1, v3  }
0x1d7: {  	[tilespmem:s23], [sflag:$0x5] =	stream.indirect_vreg.gather [hbm4b:s8+s4], $0x80, v4, vm0, $0xb8;
	[tilespmem:$0x18200] =	vst v63  }
0x1d8: {  	s24 =	simm.s32 $0x11A00  }
0x1d9: {  	[tilespmem:s24], [sflag:$0x5] =	stream.indirect_vreg.gather [hbm4b:s9+s4], $0x80, v4, vm0, $0xb8;
	[tilespmem:$0x18200] =	vst v63  }
0x1da: {  	s25 =	simm.s32 $0x12200  }
0x1db: {  	[tilespmem:s25], [sflag:$0x5] =	stream.indirect_vreg.gather [hbm4b:s1+s4], $0x80, v3, vm0, $0xb8;
	[tilespmem:$0x18200] =	vst v63  }
0x1dc: {  	s28 =	simm.s32 $0x12A00  }
0x1dd: {  	[tilespmem:s28], [sflag:$0x5] =	stream.indirect_vreg.gather [hbm4b:s7+s4], $0x80, v3, vm0, $0xb8;
	[tilespmem:$0x18200] =	vst v63  }
0x1de: {  	s29 =	simm.s32 $0x13200  }
0x1df: {  	[tilespmem:s29], [sflag:$0x5] =	stream.indirect_vreg.gather [hbm4b:s8+s4], $0x80, v3, vm0, $0xb8;
	[tilespmem:$0x18200] =	vst v63  }
0x1e0: {  	s19 =	simm.s32 $0x13A00  }
0x1e1: {  	[tilespmem:s19], [sflag:$0x5] =	stream.indirect_vreg.gather [hbm4b:s9+s4], $0x80, v3, vm0, $0xb8;
	[tilespmem:$0x18200] =	vst v63  }
0x1e2: {  	_ =	swait.ge [sflag:s21], $0x4000  }
0x1e3: {  	[sflag:s21] =	ssyncset.done $0x0  }
0x1e4: {  	s23 =	rddreg [dreg:$0xf];
	[sflag:s21] =	ssyncadd.s32 $0xFFFFC000  }
0x1e5: {  	[hbm4b:s23+s4] =	stream.linear.scatter [tilespmem:s14], [sflag:$0xC], $0x4000, $0x38;
	[tilespmem:$0x18200] =	vst v63  }
0x1e6: {  	_ =	swait.ge [sflag:s22], $0x4000  }
0x1e7: {  	[sflag:s22] =	ssyncset.done $0x0  }
0x1e8: {  	[sflag:s22] =	ssyncadd.s32 $0xFFFFC000  }
0x1e9: {  	v3 =	vld [tilespmem:$0x110];
	_ =	sdelay $0x4  }
0x1ea: {  	v57 =	vshll.u32 v3, $0x3  }
0x1eb: {  	v3 =	vand.u32 $0x7, v3;
	v4 =	vand.u32 $0xFFFFFFC0, v57  }
0x1ec: {  	v3 =	vor.u32 v3, v4  }
0x1ed: {  	v4 =	vperm.xlane v3, v0;
	_ =	sdelay $0x1  }
0x1ee: {  	v4 =	vadd.s32 v1, v4;
	_ =	sdelay $0x4  }
0x1ef: {  	[tilespmem:s14], [sflag:$0x6] =	stream.indirect_vreg.gather [hbm4b:s1+s4], $0x80, v4, vm0, $0xb8;
	[tilespmem:$0x18200] =	vst v63  }
0x1f0: {  	s25 =	simm.s32 $0x14A00;
	v3 =	vperm.xlane v3, v2  }
0x1f1: {  	[tilespmem:s25], [sflag:$0x6] =	stream.indirect_vreg.gather [hbm4b:s7+s4], $0x80, v4, vm0, $0xb8;
	[tilespmem:$0x18200] =	vst v63  }
0x1f2: {  	s2 =	simm.s32 $0x15200;
	v3 =	vadd.s32 v1, v3  }
0x1f3: {  	[tilespmem:s2], [sflag:$0x6] =	stream.indirect_vreg.gather [hbm4b:s8+s4], $0x80, v4, vm0, $0xb8;
	[tilespmem:$0x18200] =	vst v63  }
0x1f4: {  	s23 =	simm.s32 $0x15A00  }
0x1f5: {  	[tilespmem:s23], [sflag:$0x6] =	stream.indirect_vreg.gather [hbm4b:s9+s4], $0x80, v4, vm0, $0xb8;
	[tilespmem:$0x18200] =	vst v63  }
0x1f6: {  	s25 =	simm.s32 $0x16200  }
0x1f7: {  	[tilespmem:s25], [sflag:$0x6] =	stream.indirect_vreg.gather [hbm4b:s1+s4], $0x80, v3, vm0, $0xb8;
	[tilespmem:$0x18200] =	vst v63  }
0x1f8: {  	s28 =	simm.s32 $0x16A00  }
0x1f9: {  	[tilespmem:s28], [sflag:$0x6] =	stream.indirect_vreg.gather [hbm4b:s7+s4], $0x80, v3, vm0, $0xb8;
	[tilespmem:$0x18200] =	vst v63  }
0x1fa: {  	s28 =	simm.s32 $0x17200  }
0x1fb: {  	[tilespmem:s28], [sflag:$0x6] =	stream.indirect_vreg.gather [hbm4b:s8+s4], $0x80, v3, vm0, $0xb8;
	[tilespmem:$0x18200] =	vst v63  }
0x1fc: {  	s29 =	simm.s32 $0x17A00  }
0x1fd: {  	[tilespmem:s29], [sflag:$0x6] =	stream.indirect_vreg.gather [hbm4b:s9+s4], $0x80, v3, vm0, $0xb8;
	[tilespmem:$0x18200] =	vst v63  }
0x1fe: {  	_ =	swait.ge [sflag:s26], $0x4000  }
0x1ff: {  	[sflag:s26] =	ssyncset.done $0x0  }
0x200: {  	s19 =	simm.s32 $0x200;
	s24 =	rddreg [dreg:$0x10];
	[sflag:s26] =	ssyncadd.s32 $0xFFFFC000  }
0x201: {  	[hbm4b:s24+s4] =	stream.linear.scatter [tilespmem:s19], [sflag:$0x7], $0x4000, $0x38;
	[tilespmem:$0x18200] =	vst v63  }
0x202: {  	_ =	swait.ge [sflag:s30], $0x4000  }
0x203: {  	[sflag:s30] =	ssyncset.done $0x0  }
0x204: {  	[sflag:s30] =	ssyncadd.s32 $0xFFFFC000  }
0x205: {  	v3 =	vld [tilespmem:$0x120];
	_ =	sdelay $0x4  }
0x206: {  	v58 =	vshll.u32 v3, $0x3  }
0x207: {  	v3 =	vand.u32 $0x7, v3;
	v4 =	vand.u32 $0xFFFFFFC0, v58  }
0x208: {  	v3 =	vor.u32 v3, v4  }
0x209: {  	v4 =	vperm.xlane v3, v0;
	_ =	sdelay $0x1  }
0x20a: {  	v4 =	vadd.s32 v1, v4;
	_ =	sdelay $0x4  }
0x20b: {  	[tilespmem:s19], [sflag:$0x1] =	stream.indirect_vreg.gather [hbm4b:s1+s4], $0x80, v4, vm0, $0xb8;
	[tilespmem:$0x18200] =	vst v63  }
0x20c: {  	s29 =	simm.s32 $0xA00;
	v3 =	vperm.xlane v3, v2  }
0x20d: {  	[tilespmem:s29], [sflag:$0x1] =	stream.indirect_vreg.gather [hbm4b:s7+s4], $0x80, v4, vm0, $0xb8;
	[tilespmem:$0x18200] =	vst v63  }
0x20e: {  	s24 =	simm.s32 $0x1200;
	v3 =	vadd.s32 v1, v3  }
0x20f: {  	[tilespmem:s24], [sflag:$0x1] =	stream.indirect_vreg.gather [hbm4b:s8+s4], $0x80, v4, vm0, $0xb8;
	[tilespmem:$0x18200] =	vst v63  }
0x210: {  	s29 =	simm.s32 $0x1A00  }
0x211: {  	[tilespmem:s29], [sflag:$0x1] =	stream.indirect_vreg.gather [hbm4b:s9+s4], $0x80, v4, vm0, $0xb8;
	[tilespmem:$0x18200] =	vst v63  }
0x212: {  	s24 =	simm.s32 $0x2200  }
0x213: {  	[tilespmem:s24], [sflag:$0x1] =	stream.indirect_vreg.gather [hbm4b:s1+s4], $0x80, v3, vm0, $0xb8;
	[tilespmem:$0x18200] =	vst v63  }
0x214: {  	s29 =	simm.s32 $0x2A00  }
0x215: {  	[tilespmem:s29], [sflag:$0x1] =	stream.indirect_vreg.gather [hbm4b:s7+s4], $0x80, v3, vm0, $0xb8;
	[tilespmem:$0x18200] =	vst v63  }
0x216: {  	s24 =	simm.s32 $0x3200  }
0x217: {  	[tilespmem:s24], [sflag:$0x1] =	stream.indirect_vreg.gather [hbm4b:s8+s4], $0x80, v3, vm0, $0xb8;
	[tilespmem:$0x18200] =	vst v63  }
0x218: {  	s29 =	simm.s32 $0x3A00  }
0x219: {  	[tilespmem:s29], [sflag:$0x1] =	stream.indirect_vreg.gather [hbm4b:s9+s4], $0x80, v3, vm0, $0xb8;
	[tilespmem:$0x18200] =	vst v63  }
0x21a: {  	_ =	swait.ge [sflag:s31], $0x4000  }
0x21b: {  	[sflag:s31] =	ssyncset.done $0x0  }
0x21c: {  	s19 =	simm.s32 $0x4200;
	s24 =	rddreg [dreg:$0x11];
	[sflag:s31] =	ssyncadd.s32 $0xFFFFC000  }
0x21d: {  	[hbm4b:s24+s4] =	stream.linear.scatter [tilespmem:s19], [sflag:$0x8], $0x4000, $0x38;
	[tilespmem:$0x18200] =	vst v63  }
0x21e: {  	_ =	swait.ge [sflag:s0], $0x4000  }
0x21f: {  	[sflag:s0] =	ssyncset.done $0x0  }
0x220: {  	[sflag:s0] =	ssyncadd.s32 $0xFFFFC000  }
0x221: {  	v3 =	vld [tilespmem:$0x130];
	_ =	sdelay $0x4  }
0x222: {  	v59 =	vshll.u32 v3, $0x3  }
0x223: {  	v3 =	vand.u32 $0x7, v3;
	v4 =	vand.u32 $0xFFFFFFC0, v59  }
0x224: {  	v3 =	vor.u32 v3, v4  }
0x225: {  	v4 =	vperm.xlane v3, v0;
	_ =	sdelay $0x1  }
0x226: {  	v4 =	vadd.s32 v1, v4;
	_ =	sdelay $0x4  }
0x227: {  	[tilespmem:s19], [sflag:$0x2] =	stream.indirect_vreg.gather [hbm4b:s1+s4], $0x80, v4, vm0, $0xb8;
	[tilespmem:$0x18200] =	vst v63  }
0x228: {  	s29 =	simm.s32 $0x4A00;
	v3 =	vperm.xlane v3, v2  }
0x229: {  	[tilespmem:s29], [sflag:$0x2] =	stream.indirect_vreg.gather [hbm4b:s7+s4], $0x80, v4, vm0, $0xb8;
	[tilespmem:$0x18200] =	vst v63  }
0x22a: {  	s24 =	simm.s32 $0x5200;
	v3 =	vadd.s32 v1, v3  }
0x22b: {  	[tilespmem:s24], [sflag:$0x2] =	stream.indirect_vreg.gather [hbm4b:s8+s4], $0x80, v4, vm0, $0xb8;
	[tilespmem:$0x18200] =	vst v63  }
0x22c: {  	s29 =	simm.s32 $0x5A00  }
0x22d: {  	[tilespmem:s29], [sflag:$0x2] =	stream.indirect_vreg.gather [hbm4b:s9+s4], $0x80, v4, vm0, $0xb8;
	[tilespmem:$0x18200] =	vst v63  }
0x22e: {  	s24 =	simm.s32 $0x6200  }
0x22f: {  	[tilespmem:s24], [sflag:$0x2] =	stream.indirect_vreg.gather [hbm4b:s1+s4], $0x80, v3, vm0, $0xb8;
	[tilespmem:$0x18200] =	vst v63  }
0x230: {  	s29 =	simm.s32 $0x6A00  }
0x231: {  	[tilespmem:s29], [sflag:$0x2] =	stream.indirect_vreg.gather [hbm4b:s7+s4], $0x80, v3, vm0, $0xb8;
	[tilespmem:$0x18200] =	vst v63  }
0x232: {  	s24 =	simm.s32 $0x7200  }
0x233: {  	[tilespmem:s24], [sflag:$0x2] =	stream.indirect_vreg.gather [hbm4b:s8+s4], $0x80, v3, vm0, $0xb8;
	[tilespmem:$0x18200] =	vst v63  }
0x234: {  	s29 =	simm.s32 $0x7A00  }
0x235: {  	[tilespmem:s29], [sflag:$0x2] =	stream.indirect_vreg.gather [hbm4b:s9+s4], $0x80, v3, vm0, $0xb8;
	[tilespmem:$0x18200] =	vst v63  }
0x236: {  	_ =	swait.ge [sflag:s15], $0x4000  }
0x237: {  	[sflag:s15] =	ssyncset.done $0x0  }
0x238: {  	s19 =	simm.s32 $0x8200;
	s24 =	rddreg [dreg:$0x12];
	[sflag:s15] =	ssyncadd.s32 $0xFFFFC000  }
0x239: {  	[hbm4b:s24+s4] =	stream.linear.scatter [tilespmem:s19], [sflag:$0x9], $0x4000, $0x38;
	[tilespmem:$0x18200] =	vst v63  }
0x23a: {  	_ =	swait.ge [sflag:s5], $0x4000  }
0x23b: {  	[sflag:s5] =	ssyncset.done $0x0  }
0x23c: {  	[sflag:s5] =	ssyncadd.s32 $0xFFFFC000  }
0x23d: {  	v3 =	vld [tilespmem:$0x140];
	_ =	sdelay $0x4  }
0x23e: {  	v60 =	vshll.u32 v3, $0x3  }
0x23f: {  	v3 =	vand.u32 $0x7, v3;
	v4 =	vand.u32 $0xFFFFFFC0, v60  }
0x240: {  	v3 =	vor.u32 v3, v4  }
0x241: {  	v4 =	vperm.xlane v3, v0;
	_ =	sdelay $0x1  }
0x242: {  	v4 =	vadd.s32 v1, v4;
	_ =	sdelay $0x4  }
0x243: {  	[tilespmem:s19], [sflag:$0x3] =	stream.indirect_vreg.gather [hbm4b:s1+s4], $0x80, v4, vm0, $0xb8;
	[tilespmem:$0x18200] =	vst v63  }
0x244: {  	s24 =	simm.s32 $0x8A00;
	v3 =	vperm.xlane v3, v2  }
0x245: {  	[tilespmem:s24], [sflag:$0x3] =	stream.indirect_vreg.gather [hbm4b:s7+s4], $0x80, v4, vm0, $0xb8;
	[tilespmem:$0x18200] =	vst v63  }
0x246: {  	v3 =	vadd.s32 v1, v3;
	s24 =	simm.s32 $0x9200  }
0x247: {  	[tilespmem:s24], [sflag:$0x3] =	stream.indirect_vreg.gather [hbm4b:s8+s4], $0x80, v4, vm0, $0xb8;
	[tilespmem:$0x18200] =	vst v63  }
0x248: {  	s24 =	simm.s32 $0x9A00  }
0x249: {  	[tilespmem:s24], [sflag:$0x3] =	stream.indirect_vreg.gather [hbm4b:s9+s4], $0x80, v4, vm0, $0xb8;
	[tilespmem:$0x18200] =	vst v63  }
0x24a: {  	s24 =	simm.s32 $0xA200  }
0x24b: {  	[tilespmem:s24], [sflag:$0x3] =	stream.indirect_vreg.gather [hbm4b:s1+s4], $0x80, v3, vm0, $0xb8;
	[tilespmem:$0x18200] =	vst v63  }
0x24c: {  	s24 =	simm.s32 $0xAA00  }
0x24d: {  	[tilespmem:s24], [sflag:$0x3] =	stream.indirect_vreg.gather [hbm4b:s7+s4], $0x80, v3, vm0, $0xb8;
	[tilespmem:$0x18200] =	vst v63  }
0x24e: {  	s24 =	simm.s32 $0xB200  }
0x24f: {  	[tilespmem:s24], [sflag:$0x3] =	stream.indirect_vreg.gather [hbm4b:s8+s4], $0x80, v3, vm0, $0xb8;
	[tilespmem:$0x18200] =	vst v63  }
0x250: {  	s24 =	simm.s32 $0xBA00  }
0x251: {  	[tilespmem:s24], [sflag:$0x3] =	stream.indirect_vreg.gather [hbm4b:s9+s4], $0x80, v3, vm0, $0xb8;
	[tilespmem:$0x18200] =	vst v63  }
0x252: {  	_ =	swait.ge [sflag:s6], $0x4000  }
0x253: {  	[sflag:s6] =	ssyncset.done $0x0  }
0x254: {  	s19 =	simm.s32 $0xC200;
	s24 =	rddreg [dreg:$0x13];
	[sflag:s6] =	ssyncadd.s32 $0xFFFFC000  }
0x255: {  	[hbm4b:s24+s4] =	stream.linear.scatter [tilespmem:s19], [sflag:$0xA], $0x4000, $0x38;
	[tilespmem:$0x18200] =	vst v63  }
0x256: {  	_ =	swait.ge [sflag:s16], $0x4000  }
0x257: {  	[sflag:s16] =	ssyncset.done $0x0  }
0x258: {  	[sflag:s16] =	ssyncadd.s32 $0xFFFFC000  }
0x259: {  	v3 =	vld [tilespmem:$0x150];
	_ =	sdelay $0x4  }
0x25a: {  	v61 =	vshll.u32 v3, $0x3  }
0x25b: {  	v3 =	vand.u32 $0x7, v3;
	v4 =	vand.u32 $0xFFFFFFC0, v61  }
0x25c: {  	v3 =	vor.u32 v3, v4  }
0x25d: {  	v4 =	vperm.xlane v3, v0;
	_ =	sdelay $0x1  }
0x25e: {  	v4 =	vadd.s32 v1, v4;
	_ =	sdelay $0x4  }
0x25f: {  	[tilespmem:s19], [sflag:$0x4] =	stream.indirect_vreg.gather [hbm4b:s1+s4], $0x80, v4, vm0, $0xb8;
	[tilespmem:$0x18200] =	vst v63  }
0x260: {  	s24 =	simm.s32 $0xCA00;
	v3 =	vperm.xlane v3, v2  }
0x261: {  	[tilespmem:s24], [sflag:$0x4] =	stream.indirect_vreg.gather [hbm4b:s7+s4], $0x80, v4, vm0, $0xb8;
	[tilespmem:$0x18200] =	vst v63  }
0x262: {  	v3 =	vadd.s32 v1, v3;
	s24 =	simm.s32 $0xD200  }
0x263: {  	[tilespmem:s24], [sflag:$0x4] =	stream.indirect_vreg.gather [hbm4b:s8+s4], $0x80, v4, vm0, $0xb8;
	[tilespmem:$0x18200] =	vst v63  }
0x264: {  	s24 =	simm.s32 $0xDA00  }
0x265: {  	[tilespmem:s24], [sflag:$0x4] =	stream.indirect_vreg.gather [hbm4b:s9+s4], $0x80, v4, vm0, $0xb8;
	[tilespmem:$0x18200] =	vst v63  }
0x266: {  	s24 =	simm.s32 $0xE200  }
0x267: {  	[tilespmem:s24], [sflag:$0x4] =	stream.indirect_vreg.gather [hbm4b:s1+s4], $0x80, v3, vm0, $0xb8;
	[tilespmem:$0x18200] =	vst v63  }
0x268: {  	s24 =	simm.s32 $0xEA00  }
0x269: {  	[tilespmem:s24], [sflag:$0x4] =	stream.indirect_vreg.gather [hbm4b:s7+s4], $0x80, v3, vm0, $0xb8;
	[tilespmem:$0x18200] =	vst v63  }
0x26a: {  	s24 =	simm.s32 $0xF200  }
0x26b: {  	[tilespmem:s24], [sflag:$0x4] =	stream.indirect_vreg.gather [hbm4b:s8+s4], $0x80, v3, vm0, $0xb8;
	[tilespmem:$0x18200] =	vst v63  }
0x26c: {  	s24 =	simm.s32 $0xFA00  }
0x26d: {  	[tilespmem:s24], [sflag:$0x4] =	stream.indirect_vreg.gather [hbm4b:s9+s4], $0x80, v3, vm0, $0xb8;
	[tilespmem:$0x18200] =	vst v63  }
0x26e: {  	_ =	swait.ge [sflag:s18], $0x4000  }
0x26f: {  	[sflag:s18] =	ssyncset.done $0x0  }
0x270: {  	s24 =	rddreg [dreg:$0x14];
	[sflag:s18] =	ssyncadd.s32 $0xFFFFC000  }
0x271: {  	[hbm4b:s24+s4] =	stream.linear.scatter [tilespmem:s17], [sflag:$0xB], $0x4000, $0x38;
	[tilespmem:$0x18200] =	vst v63  }
0x272: {  	_ =	swait.ge [sflag:s20], $0x4000  }
0x273: {  	[sflag:s20] =	ssyncset.done $0x0  }
0x274: {  	[sflag:s20] =	ssyncadd.s32 $0xFFFFC000  }
0x275: {  	v3 =	vld [tilespmem:$0x160];
	_ =	sdelay $0x4  }
0x276: {  	v62 =	vshll.u32 v3, $0x3  }
0x277: {  	v3 =	vand.u32 $0x7, v3;
	v4 =	vand.u32 $0xFFFFFFC0, v62  }
0x278: {  	v3 =	vor.u32 v3, v4  }
0x279: {  	v4 =	vperm.xlane v3, v0;
	_ =	sdelay $0x1  }
0x27a: {  	v4 =	vadd.s32 v1, v4;
	_ =	sdelay $0x4  }
0x27b: {  	[tilespmem:s17], [sflag:$0x5] =	stream.indirect_vreg.gather [hbm4b:s1+s4], $0x80, v4, vm0, $0xb8;
	[tilespmem:$0x18200] =	vst v63  }
0x27c: {  	s24 =	simm.s32 $0x10A00;
	v3 =	vperm.xlane v3, v2  }
0x27d: {  	[tilespmem:s24], [sflag:$0x5] =	stream.indirect_vreg.gather [hbm4b:s7+s4], $0x80, v4, vm0, $0xb8;
	[tilespmem:$0x18200] =	vst v63  }
0x27e: {  	v3 =	vadd.s32 v1, v3;
	s24 =	simm.s32 $0x11200  }
0x27f: {  	[tilespmem:s24], [sflag:$0x5] =	stream.indirect_vreg.gather [hbm4b:s8+s4], $0x80, v4, vm0, $0xb8;
	[tilespmem:$0x18200] =	vst v63  }
0x280: {  	s24 =	simm.s32 $0x11A00  }
0x281: {  	[tilespmem:s24], [sflag:$0x5] =	stream.indirect_vreg.gather [hbm4b:s9+s4], $0x80, v4, vm0, $0xb8;
	[tilespmem:$0x18200] =	vst v63  }
0x282: {  	s24 =	simm.s32 $0x12200  }
0x283: {  	[tilespmem:s24], [sflag:$0x5] =	stream.indirect_vreg.gather [hbm4b:s1+s4], $0x80, v3, vm0, $0xb8;
	[tilespmem:$0x18200] =	vst v63  }
0x284: {  	s24 =	simm.s32 $0x12A00  }
0x285: {  	[tilespmem:s24], [sflag:$0x5] =	stream.indirect_vreg.gather [hbm4b:s7+s4], $0x80, v3, vm0, $0xb8;
	[tilespmem:$0x18200] =	vst v63  }
0x286: {  	s24 =	simm.s32 $0x13200  }
0x287: {  	[tilespmem:s24], [sflag:$0x5] =	stream.indirect_vreg.gather [hbm4b:s8+s4], $0x80, v3, vm0, $0xb8;
	[tilespmem:$0x18200] =	vst v63  }
0x288: {  	s24 =	simm.s32 $0x13A00  }
0x289: {  	[tilespmem:s24], [sflag:$0x5] =	stream.indirect_vreg.gather [hbm4b:s9+s4], $0x80, v3, vm0, $0xb8;
	[tilespmem:$0x18200] =	vst v63  }
0x28a: {  	_ =	swait.ge [sflag:s21], $0x4000  }
0x28b: {  	[sflag:s21] =	ssyncset.done $0x0  }
0x28c: {  	s24 =	rddreg [dreg:$0x15];
	[sflag:s21] =	ssyncadd.s32 $0xFFFFC000  }
0x28d: {  	[hbm4b:s24+s4] =	stream.linear.scatter [tilespmem:s14], [sflag:$0xC], $0x4000, $0x38;
	[tilespmem:$0x18200] =	vst v63  }
0x28e: {  	_ =	swait.ge [sflag:s22], $0x4000  }
0x28f: {  	[sflag:s22] =	ssyncset.done $0x0  }
0x290: {  	[sflag:s22] =	ssyncadd.s32 $0xFFFFC000  }
0x291: {  	v3 =	vld [tilespmem:$0x170];
	_ =	sdelay $0x4  }
0x292: {  	v63 =	vshll.u32 v3, $0x3  }
0x293: {  	v3 =	vand.u32 $0x7, v3;
	v4 =	vand.u32 $0xFFFFFFC0, v63  }
0x294: {  	v3 =	vor.u32 v3, v4  }
0x295: {  	v4 =	vperm.xlane v3, v0;
	_ =	sdelay $0x1  }
0x296: {  	v4 =	vadd.s32 v1, v4;
	_ =	sdelay $0x4  }
0x297: {  	[tilespmem:s14], [sflag:$0x6] =	stream.indirect_vreg.gather [hbm4b:s1+s4], $0x80, v4, vm0, $0xb8;
	[tilespmem:$0x18200] =	vst v63  }
0x298: {  	s24 =	simm.s32 $0x14A00;
	v3 =	vperm.xlane v3, v2  }
0x299: {  	[tilespmem:s24], [sflag:$0x6] =	stream.indirect_vreg.gather [hbm4b:s7+s4], $0x80, v4, vm0, $0xb8;
	[tilespmem:$0x18200] =	vst v63  }
0x29a: {  	v3 =	vadd.s32 v1, v3  }
0x29b: {  	[tilespmem:s2], [sflag:$0x6] =	stream.indirect_vreg.gather [hbm4b:s8+s4], $0x80, v4, vm0, $0xb8;
	[tilespmem:$0x18200] =	vst v63  }
0x29c: {  	_ = 	snop  }
0x29d: {  	[tilespmem:s23], [sflag:$0x6] =	stream.indirect_vreg.gather [hbm4b:s9+s4], $0x80, v4, vm0, $0xb8;
	[tilespmem:$0x18200] =	vst v63  }
0x29e: {  	_ = 	snop  }
0x29f: {  	[tilespmem:s25], [sflag:$0x6] =	stream.indirect_vreg.gather [hbm4b:s1+s4], $0x80, v3, vm0, $0xb8;
	[tilespmem:$0x18200] =	vst v63  }
0x2a0: {  	s25 =	simm.s32 $0x16A00  }
0x2a1: {  	[tilespmem:s25], [sflag:$0x6] =	stream.indirect_vreg.gather [hbm4b:s7+s4], $0x80, v3, vm0, $0xb8;
	[tilespmem:$0x18200] =	vst v63  }
0x2a2: {  	_ = 	snop  }
0x2a3: {  	[tilespmem:s28], [sflag:$0x6] =	stream.indirect_vreg.gather [hbm4b:s8+s4], $0x80, v3, vm0, $0xb8;
	[tilespmem:$0x18200] =	vst v63  }
0x2a4: {  	s28 =	simm.s32 $0x17A00  }
0x2a5: {  	[tilespmem:s28], [sflag:$0x6] =	stream.indirect_vreg.gather [hbm4b:s9+s4], $0x80, v3, vm0, $0xb8;
	[tilespmem:$0x18200] =	vst v63  }
0x2a6: {  	_ =	swait.ge [sflag:s26], $0x4000  }
0x2a7: {  	[sflag:s26] =	ssyncset.done $0x0  }
0x2a8: {  	s23 =	simm.s32 $0x200;
	s2 =	rddreg [dreg:$0x16];
	[sflag:s26] =	ssyncadd.s32 $0xFFFFC000  }
0x2a9: {  	[hbm4b:s2+s4] =	stream.linear.scatter [tilespmem:s23], [sflag:$0x7], $0x4000, $0x38;
	[tilespmem:$0x18200] =	vst v63  }
0x2aa: {  	_ =	swait.ge [sflag:s31], $0x4000  }
0x2ab: {  	[sflag:s31] =	ssyncset.done $0x0  }
0x2ac: {  	s28 =	simm.s32 $0x4200;
	s25 =	rddreg [dreg:$0x17];
	[sflag:s31] =	ssyncadd.s32 $0xFFFFC000  }
0x2ad: {  	[hbm4b:s25+s4] =	stream.linear.scatter [tilespmem:s28], [sflag:$0x8], $0x4000, $0x38;
	[tilespmem:$0x18200] =	vst v63  }
0x2ae: {  	_ =	swait.ge [sflag:s15], $0x4000  }
0x2af: {  	[sflag:s15] =	ssyncset.done $0x0  }
0x2b0: {  	s29 =	simm.s32 $0x8200;
	s23 =	rddreg [dreg:$0x18];
	[sflag:s15] =	ssyncadd.s32 $0xFFFFC000  }
0x2b1: {  	[hbm4b:s23+s4] =	stream.linear.scatter [tilespmem:s29], [sflag:$0x9], $0x4000, $0x38;
	[tilespmem:$0x18200] =	vst v63  }
0x2b2: {  	_ =	swait.ge [sflag:s6], $0x4000  }
0x2b3: {  	[sflag:s6] =	ssyncset.done $0x0  }
0x2b4: {  	s19 =	simm.s32 $0xC200;
	s25 =	rddreg [dreg:$0x19];
	[sflag:s6] =	ssyncadd.s32 $0xFFFFC000  }
0x2b5: {  	[hbm4b:s25+s4] =	stream.linear.scatter [tilespmem:s19], [sflag:$0xA], $0x4000, $0x38;
	[tilespmem:$0x18200] =	vst v63  }
0x2b6: {  	_ =	swait.ge [sflag:s18], $0x4000  }
0x2b7: {  	[sflag:s18] =	ssyncset.done $0x0  }
0x2b8: {  	s28 =	rddreg [dreg:$0x1a];
	[sflag:s18] =	ssyncadd.s32 $0xFFFFC000  }
0x2b9: {  	[hbm4b:s28+s4] =	stream.linear.scatter [tilespmem:s17], [sflag:$0xB], $0x4000, $0x38;
	[tilespmem:$0x18200] =	vst v63  }
0x2ba: {  	_ =	swait.ge [sflag:s21], $0x4000  }
0x2bb: {  	[sflag:s21] =	ssyncset.done $0x0  }
0x2bc: {  	s29 =	rddreg [dreg:$0x1b];
	[sflag:s21] =	ssyncadd.s32 $0xFFFFC000  }
0x2bd: {  	[hbm4b:s29+s4] =	stream.linear.scatter [tilespmem:s14], [sflag:$0xC], $0x4000, $0x38;
	[tilespmem:$0x18200] =	vst v63  }
0x2be: {  	_ =	swait.ge [sflag:s30], $0x4000  }
0x2bf: {  	[sflag:s30] =	ssyncset.done $0x0  }
0x2c0: {  	[sflag:s30] =	ssyncadd.s32 $0xFFFFC000  }
0x2c1: {  	_ =	swait.ge [sflag:s0], $0x4000  }
0x2c2: {  	[sflag:s0] =	ssyncset.done $0x0  }
0x2c3: {  	[sflag:s0] =	ssyncadd.s32 $0xFFFFC000  }
0x2c4: {  	_ =	swait.ge [sflag:s5], $0x4000  }
0x2c5: {  	[sflag:s5] =	ssyncset.done $0x0  }
0x2c6: {  	[sflag:s5] =	ssyncadd.s32 $0xFFFFC000  }
0x2c7: {  	_ =	swait.ge [sflag:s16], $0x4000  }
0x2c8: {  	[sflag:s16] =	ssyncset.done $0x0  }
0x2c9: {  	[sflag:s16] =	ssyncadd.s32 $0xFFFFC000  }
0x2ca: {  	p0 =	sne.s32 s13, $0x1;
	_ =	swait.ge [sflag:s20], $0x4000  }
.Ltmp0:
0x2cb: {  	[sflag:s20] =	ssyncset.done $0x0;
	(pc) =	sbr.rel @p0 .LBB2_1-.Ltmp0, $4  }
0x2cc: {  	[sflag:s20] =	ssyncadd.s32 $0xFFFFC000  }
0x2cd: {  	_ =	swait.ge [sflag:s22], $0x4000  }
0x2ce: {  	[sflag:s22] =	ssyncset.done $0x0  }
0x2cf: {  	s13 =	sadd.s32 $0xFFFFFFFF, s13;
	[sflag:s22] =	ssyncadd.s32 $0xFFFFC000  }
0x2d0: {  	_ =	sfence.sel $0x180000  }
0x2d1: {  	[bflag:$0x0] =	sbarrier.arrive $0xFFFF  }
0x2d2: {  	_ =	strace $0x90000047  }
0x2d3: {  	s0 =	stileid.u32;
	[bflag:$0x2] =	sbarrier.arrive $0xFFFF  }
0x2d4: {  	p0 =	sne.s32 s0, $0x0;
	s0 =	rddreg [dreg:$0x4]  }
0x2d5: {  	s0 =	sadd.s32 @!p0 $0x100000, s0  }
0x2d6: {  	[sflag:s0] =	ssyncadd.tile.s32 @!p0 $0x1;
	_ =	shalt  }
.Lfunc_end2:
_tile_overlayer_lowered:
.L_overlay_start_2:
0x2d7: {  	(tag) =	ssettag $0x2  }
0x2d8: {  	s0 =	rddreg [dreg:$0x0];
	s2 =	stileid.u32  }
0x2d9: {  	s1 =	rddreg [dreg:$0x1];
	p0 =	sne.s32 s2, $0x0  }
0x2da: {  	s3 =	rddreg [dreg:$0x2];
	[bflag:$0x3] =	sbarrier.arrive $0xFFFF;
	s2 =	simm.s32 @!p0 $0x1C0D  }
0x2db: {  	[timem:s3], [sflag:s2] =	dma.local @!p0 [hbm:s0], s1  }
0x2dc: {  	s0 =	simm.s32 @!p0 $0xD  }
0x2dd: {  	_ =	swait.ge @!p0 [sflag:s0], s1  }
0x2de: {  	s1 =	ssub.s32 @!p0 $0x0, s1;
	[sflag:s0] =	ssyncset.done @!p0 $0x0  }
0x2df: {  	[sflag:s0] =	ssyncadd.s32 @!p0 s1  }
0x2e0: {  	[bflag:$0x3] =	sbarrier.arrive $0xFFFF  }
0x2e1: {  	_ =	shalt  }

</sc_bundles>
